<compile_context>
chip_gen: v7x
topology: tpu7x:2x2x1
jax: 0.10.2.dev20260603
libtpu: 0.0.44.dev20260713+nightly
codegen_flags: <defaults>
</compile_context>

<pallas_src>
import functools

import jax
import jax.numpy as jnp
from jax import lax
from jax.experimental import pallas as pl
from jax.experimental.pallas import tpu as pltpu
from jax.experimental.pallas import tpu_sc as plsc

_N, _NF, _HID, _NCLS = 4096, 512, 256, 64
_TAU = 0.5
_NLAYER = 2
_F32 = jnp.float32


def _fc_body(x_ref, w_ref, b_ref, h_ref, u_ref):
    h = lax.dot_general(x_ref[...], w_ref[...], (((1,), (1,)), ((), ())),
                        preferred_element_type=_F32)
    h = h + b_ref[...]
    h_ref[...] = h
    n = jnp.sqrt(jnp.sum(h * h, axis=1, keepdims=True))
    u_ref[...] = h / jnp.maximum(n, 1e-12)


def _fc(x, W, b):
    BM = 512
    return pl.pallas_call(
        _fc_body,
        grid=(_N // BM,),
        in_specs=[pl.BlockSpec((BM, _NF), lambda i: (i, 0)),
                  pl.BlockSpec((_HID, _NF), lambda i: (0, 0)),
                  pl.BlockSpec((1, _HID), lambda i: (0, 0))],
        out_specs=[pl.BlockSpec((BM, _HID), lambda i: (i, 0)),
                   pl.BlockSpec((BM, _HID), lambda i: (i, 0))],
        out_shape=[jax.ShapeDtypeStruct((_N, _HID), _F32)] * 2,
    )(x, W, b.reshape(1, _HID))


def _spmv_norm_body(a_ref, z_ref, p_ref, v_ref):
    p = jnp.dot(a_ref[...], z_ref[...], preferred_element_type=_F32)
    p_ref[...] = p
    n = jnp.sqrt(jnp.sum(p * p, axis=1, keepdims=True))
    v_ref[...] = p / jnp.maximum(n, 1e-12)


def _spmv_norm(A, Z):
    BM = 256
    return pl.pallas_call(
        _spmv_norm_body,
        grid=(_N // BM,),
        in_specs=[pl.BlockSpec((BM, _N), lambda i: (i, 0)),
                  pl.BlockSpec((_N, _HID), lambda i: (0, 0))],
        out_specs=[pl.BlockSpec((BM, _HID), lambda i: (i, 0)),
                   pl.BlockSpec((BM, _HID), lambda i: (i, 0))],
        out_shape=[jax.ShapeDtypeStruct((_N, _HID), _F32)] * 2,
    )(A, Z)


def _spmv_body(a_ref, z_ref, p_ref):
    p_ref[...] = jnp.dot(a_ref[...], z_ref[...], preferred_element_type=_F32)


def _spmv(A, Z):
    BM = 256
    return pl.pallas_call(
        _spmv_body,
        grid=(_N // BM,),
        in_specs=[pl.BlockSpec((BM, _N), lambda i: (i, 0)),
                  pl.BlockSpec((_N, _HID), lambda i: (0, 0))],
        out_specs=pl.BlockSpec((BM, _HID), lambda i: (i, 0)),
        out_shape=jax.ShapeDtypeStruct((_N, _HID), _F32),
    )(A, Z)


def _sim_body(u_i, v1_i, v1_j, v2_j, a_ref, ct_ref, r1_acc, r2_acc, mk_acc,
              tot_acc):
    i = pl.program_id(0)
    j = pl.program_id(1)
    ni = pl.num_programs(0)
    nj = pl.num_programs(1)

    @pl.when((i == 0) & (j == 0))
    def _init_tot():
        tot_acc[0] = 0.0

    @pl.when(j == 0)
    def _init():
        r1_acc[...] = jnp.zeros_like(r1_acc)
        r2_acc[...] = jnp.zeros_like(r2_acc)
        mk_acc[...] = jnp.zeros_like(mk_acc)

    inv_tau = 1.0 / _TAU
    s1 = lax.dot_general(u_i[...], v1_j[...], (((1,), (1,)), ((), ())),
                         preferred_element_type=_F32)
    e1 = jnp.exp(s1 * inv_tau)
    s2 = lax.dot_general(v1_i[...], v2_j[...], (((1,), (1,)), ((), ())),
                         preferred_element_type=_F32)
    e2 = jnp.exp(s2 * inv_tau)
    m = (a_ref[...] > 0).astype(_F32)
    r1_acc[...] += jnp.sum(e1, axis=1, keepdims=True)
    r2_acc[...] += jnp.sum(e2, axis=1, keepdims=True)
    mk_acc[...] += jnp.sum((e1 + e2) * m, axis=1, keepdims=True)

    @pl.when(j == nj - 1)
    def _fin():
        masked = mk_acc[...]
        denom = r1_acc[...] - masked + r2_acc[...]
        ct = -jnp.log(masked / denom)
        tot_acc[0] += jnp.sum(ct)

    @pl.when((i == ni - 1) & (j == nj - 1))
    def _emit():
        ct_ref[0] = tot_acc[0]


def _sim(u1, v1, v2, A_aug):
    BM = 512
    BN = 512
    ni, nj = _N // BM, _N // BN
    return pl.pallas_call(
        _sim_body,
        grid=(ni, nj),
        in_specs=[pl.BlockSpec((BM, _HID), lambda i, j: (i, 0)),
                  pl.BlockSpec((BM, _HID), lambda i, j: (i, 0)),
                  pl.BlockSpec((BN, _HID), lambda i, j: (j, 0)),
                  pl.BlockSpec((BN, _HID), lambda i, j: (j, 0)),
                  pl.BlockSpec((BM, BN), lambda i, j: (i, j))],
        out_specs=pl.BlockSpec(memory_space=pltpu.SMEM),
        out_shape=jax.ShapeDtypeStruct((1,), _F32),
        scratch_shapes=[pltpu.VMEM((BM, 1), _F32)] * 3
        + [pltpu.SMEM((1,), _F32)],
    )(u1, v1, v1, v2, A_aug)


def _prop_out_body(a_ref, h_ref, w_ref, b_ref, y_ref):
    h2 = jnp.dot(a_ref[...], h_ref[...], preferred_element_type=_F32)
    y_ref[...] = lax.dot_general(h2, w_ref[...], (((1,), (1,)), ((), ())),
                                 preferred_element_type=_F32) + b_ref[...]


def _prop_out(A, h1, W_cls, b_cls):
    BM = 256
    return pl.pallas_call(
        _prop_out_body,
        grid=(_N // BM,),
        in_specs=[pl.BlockSpec((BM, _N), lambda i: (i, 0)),
                  pl.BlockSpec((_N, _HID), lambda i: (0, 0)),
                  pl.BlockSpec((_NCLS, _HID), lambda i: (0, 0)),
                  pl.BlockSpec((1, _NCLS), lambda i: (0, 0))],
        out_specs=pl.BlockSpec((BM, _NCLS), lambda i: (i, 0)),
        out_shape=jax.ShapeDtypeStruct((_N, _NCLS), _F32),
    )(A, h1, W_cls, b_cls.reshape(1, _NCLS))


_E = 131072
_NTILE = 16
_EPT = _E // _NTILE
_WROWS = 128
_WWORDS = _WROWS * _N
_NWIN = _N // _WROWS
_TWORDS = _WWORDS // _NTILE
_ZWORDS = 16384
_BSTRIDE = _WWORDS + 512
_FENCE = _WWORDS + 16


def _adj_body(edges_hbm, a_ori_hbm, a_aug_hbm,
              er_v, ec_v, idx_v, val_v, zero_v, fence_v, acc_sh, sem):
    cid = lax.axis_index("c")
    sid = lax.axis_index("s")

    def build(g, out_hbm):
        base_e = g * (2 * _E) + sid * _EPT
        pltpu.sync_copy(edges_hbm.at[pl.ds(base_e, _EPT)], er_v)
        pltpu.sync_copy(edges_hbm.at[pl.ds(base_e + _E, _EPT)], ec_v)

        def init_body(i, _):
            s = pl.ds(i * 16, 16)
            flat = er_v[s] * _N + ec_v[s]
            er_v[s] = flat & (_WWORDS - 1)
            ec_v[s] = lax.shift_right_logical(flat, 19)
            return _
        lax.fori_loop(0, _EPT // 16, init_body, None)

        def zinit_body(i, _):
            zero_v[pl.ds(i * 16, 16)] = jnp.zeros((16,), _F32)
            return _
        lax.fori_loop(0, _ZWORDS // 16, zinit_body, None)

        def zero_region(boff):
            for z in range(_TWORDS // _ZWORDS):
                pltpu.sync_copy(
                    zero_v,
                    acc_sh.at[pl.ds(boff + sid * _TWORDS + z * _ZWORDS,
                                    _ZWORDS)])

        zero_region(0)
        zero_region(_BSTRIDE)
        plsc.subcore_barrier()

        def fence(boff):
            fb = boff + _FENCE + sid * 16
            pltpu.sync_copy(fence_v, acc_sh.at[pl.ds(fb, 16)])
            pltpu.sync_copy(acc_sh.at[pl.ds(fb, 16)], fence_v)

        def emit(w, boff):
            pltpu.sync_copy(
                acc_sh.at[pl.ds(boff + sid * _TWORDS, _TWORDS)],
                out_hbm.at[pl.ds(w * _WWORDS + sid * _TWORDS, _TWORDS)])
            zero_region(boff)

        def win_loop(w, _):
            boff = (w & 1) * _BSTRIDE
            lo = w * _WWORDS

            def win_body(i, _):
                for k in range(4):
                    s = pl.ds(i * 64 + k * 16, 16)
                    val_v[s] = jnp.where(ec_v[s] == w, 1.0, 0.0).astype(_F32)
                    idx_v[s] = er_v[s] + boff
                return _
            lax.fori_loop(0, _EPT // 64, win_body, None)

            pltpu.sync_copy(val_v, acc_sh.at[idx_v], add=True)
            fence(boff)
            plsc.subcore_barrier()

            @pl.when(w > 0)
            def _():
                emit(w - 1, (1 - (w & 1)) * _BSTRIDE)
            plsc.subcore_barrier()
            return _
        lax.fori_loop(0, _NWIN, win_loop, None)

        pl.delay(16384)
        emit(_NWIN - 1, ((_NWIN - 1) & 1) * _BSTRIDE)

    @pl.when(cid == 0)
    def _():
        build(0, a_ori_hbm)

    @pl.when(cid == 1)
    def _():
        build(1, a_aug_hbm)


def _build_adjs(edge_index_ori, edge_index_aug):
    edges_flat = jnp.concatenate(
        [edge_index_ori.reshape(-1), edge_index_aug.reshape(-1)])
    mesh = plsc.VectorSubcoreMesh(core_axis_name="c", subcore_axis_name="s")
    f = pl.kernel(
        _adj_body, mesh=mesh,
        out_type=[jax.ShapeDtypeStruct((_N * _N,), _F32)] * 2,
        scratch_types=[
            pltpu.VMEM((_EPT,), jnp.int32),
            pltpu.VMEM((_EPT,), jnp.int32),
            pltpu.VMEM((_EPT,), jnp.int32),
            pltpu.VMEM((_EPT,), _F32),
            pltpu.VMEM((_ZWORDS,), _F32),
            pltpu.VMEM((16,), _F32),
            pltpu.VMEM_SHARED((2 * _BSTRIDE,), _F32),
            pltpu.SemaphoreType.DMA,
        ],
    )
    a_ori, a_aug = f(edges_flat)
    return a_ori.reshape(_N, _N), a_aug.reshape(_N, _N)


def kernel(x, W_fc, b_fc, W_cls, b_cls, edge_index_ori, edge_index_aug):
    A_ori, A_aug = _build_adjs(edge_index_ori, edge_index_aug)

    h, u1 = _fc(x, W_fc, b_fc)
    p, v1 = _spmv_norm(A_aug, h)
    _, v2 = _spmv_norm(A_aug, p)
    h1 = _spmv(A_ori, h)
    y = _prop_out(A_ori, h1, W_cls, b_cls)

    ct_total = _sim(u1, v1, v2, A_aug)
    loss = (_NLAYER / _N) * ct_total[0]
    return (y, loss)

# --- scband reference (transcript-rebuilt; emitter-appended) ---
"""Pipeline reference for scband-sfcgnn-86990267613731 (READ-ONLY COPY).

The authoritative reference and input builder live on the scoring server;
editing this copy changes nothing except your own understanding.
"""

import jax, jax.numpy as jnp
import numpy as np

N = 4096
NFEAT = 512
HID = 256
NCLASS = 64
E = 131072
TAU = 0.5
NLAYER = 2


def _normalize(z):
    n = jnp.linalg.norm(z, axis=1, keepdims=True)
    return z / jnp.maximum(n, 1e-12)


def setup_inputs(seed: int = 0) -> dict:
    key = jax.random.key(seed)
    ks = jax.random.split(key, 8)
    x = jax.random.normal(ks[0], (N, NFEAT), dtype=jnp.float32)
    edge_index_ori = jax.random.randint(ks[1], (2, E), 0, N, dtype=jnp.int32)
    edge_index_aug = jax.random.randint(ks[2], (2, E), 0, N, dtype=jnp.int32)
    W_fc = jax.random.normal(ks[3], (HID, NFEAT), dtype=jnp.float32) * (1.0 / np.sqrt(NFEAT))
    b_fc = jax.random.normal(ks[4], (HID,), dtype=jnp.float32) * 0.01
    W_cls = jax.random.normal(ks[5], (NCLASS, HID), dtype=jnp.float32) * (1.0 / np.sqrt(HID))
    b_cls = jax.random.normal(ks[6], (NCLASS,), dtype=jnp.float32) * 0.01
    return {"x": x, "W_fc": W_fc, "b_fc": b_fc, "W_cls": W_cls, "b_cls": b_cls,
            "edge_index_ori": edge_index_ori, "edge_index_aug": edge_index_aug}


def reference(x, W_fc, b_fc, W_cls, b_cls, edge_index_ori, edge_index_aug):
    # sparse COO adjacency materialized via scatter-add (duplicate edges sum, matching torch sparse coalesce)
    A_ori = jnp.zeros((N, N), jnp.float32).at[edge_index_ori[0], edge_index_ori[1]].add(1.0)
    A_aug = jnp.zeros((N, N), jnp.float32).at[edge_index_aug[0], edge_index_aug[1]].add(1.0)

    # h = fc(dropout(x)); dropout p=0.0 -> identity
    h = x @ W_fc.T + b_fc

    # contrastive loss on (h, h) with adj_aug; maskingRate=0.0 -> masking is identity
    z1 = h
    z2 = h
    adj_mask = (A_aug > 0).astype(jnp.float32)

    def sim(a, b):
        return _normalize(a) @ _normalize(b).T

    f = lambda s: jnp.exp(s / TAU)
    refl_si1 = f(sim(z1, A_aug @ z2))
    refl_si2 = f(sim(A_aug @ z1, A_aug @ (A_aug @ z2)))
    masked = (refl_si1 * adj_mask + refl_si2 * adj_mask).sum(1)
    CT = -jnp.log(masked / (refl_si1.sum(1) - masked + refl_si2.sum(1)))
    loss = NLAYER * CT.mean()

    # propagation layers (local=False branch): h = A_ori @ h
    for _ in range(NLAYER):
        h = A_ori @ h

    # classify(dropout(h)); dropout identity
    y = h @ W_cls.T + b_cls
    return (y, loss)

if __name__ == "__main__":
    import jax
    _d = setup_inputs()
    print(jax.jit(kernel)(*tuple(_d.values())))

</pallas_src>

<mosaic_0001>
#map = affine_map<(d0, d1) -> (0)>
module attributes {stable_mosaic.version = 14 : i64} {
  func.func @_adj_body(%arg0: i32, %arg1: i32, %arg2: memref<524288xi32, #tpu.memory_space<hbm>>, %arg3: memref<16777216xf32, #tpu.memory_space<hbm>>, %arg4: memref<16777216xf32, #tpu.memory_space<hbm>>, %arg5: memref<8192xi32, #tpu.memory_space<vmem>>, %arg6: memref<8192xi32, #tpu.memory_space<vmem>>, %arg7: memref<8192xi32, #tpu.memory_space<vmem>>, %arg8: memref<8192xf32, #tpu.memory_space<vmem>>, %arg9: memref<16384xf32, #tpu.memory_space<vmem>>, %arg10: memref<16xf32, #tpu.memory_space<vmem>>, %arg11: memref<1049600xf32, #tpu.memory_space<vmem_shared>>, %arg12: memref<!tpu.dma_semaphore, #tpu.memory_space<semaphore_mem>>) attributes {dimension_semantics = [#tpu.dimension_semantics<core_parallel>, #tpu.dimension_semantics<subcore_parallel>], iteration_bounds = array<i64: 2, 16>, scalar_prefetch = 0 : i64, scratch_operands = 8 : i64, tpu.core_type = #tpu.core_type<sc_vector_subcore>, window_params = [{transform_indices = #map}, {transform_indices = #map}, {transform_indices = #map}]} {
    %eq3A = arith.constant 0 : i32
    %eq3A_0 = arith.cmpi eq, %arg0, %eq3A : i32
    %convert_element_type3A = arith.extui %eq3A_0 : i1 to i32
    %cond3A = arith.constant 0 : i32
    %cond3A_1 = arith.cmpi ne, %convert_element_type3A, %cond3A : i32
    scf.if %cond3A_1 {
      %mul3A = arith.constant 8192 : i32
      %mul3A_7 = arith.muli %arg1, %mul3A : i32
      %add3A = arith.constant 0 : i32
      %add3A_8 = arith.addi %add3A, %mul3A_7 : i32
      "tpu.region"() ({
        %run_scoped3A = tpu.sem_alloc : memref<!tpu.dma_semaphore, #tpu.memory_space<semaphore_mem>>
        %dma_start3A = tpu.memref_slice %arg2[%add3A_8] : memref<524288xi32, #tpu.memory_space<hbm>> -> memref<8192xi32, #tpu.memory_space<hbm>>
        %dma_start3A_69 = tpu.memref_slice %arg2[%add3A_8] : memref<524288xi32, #tpu.memory_space<hbm>> -> memref<8192xi32, #tpu.memory_space<hbm>>
        tpu.enqueue_dma source(%dma_start3A_69 : memref<8192xi32, #tpu.memory_space<hbm>>) target(%arg5 : memref<8192xi32, #tpu.memory_space<vmem>>) target_semaphore(%run_scoped3A : memref<!tpu.dma_semaphore, #tpu.memory_space<semaphore_mem>>)
        %dma_wait3A = tpu.memref_slice %arg2[%add3A_8] : memref<524288xi32, #tpu.memory_space<hbm>> -> memref<8192xi32, #tpu.memory_space<hbm>>
        %dma_wait3A_70 = tpu.memref_slice %arg2[%add3A_8] : memref<524288xi32, #tpu.memory_space<hbm>> -> memref<8192xi32, #tpu.memory_space<hbm>>
        tpu.wait_dma2 semaphore(%run_scoped3A : memref<!tpu.dma_semaphore, #tpu.memory_space<semaphore_mem>>) src(%dma_wait3A_70 : memref<8192xi32, #tpu.memory_space<hbm>>) dst(%arg5 : memref<8192xi32, #tpu.memory_space<vmem>>)
        tpu.yield
      }) : () -> ()
      %add3A_9 = arith.constant 131072 : i32
      %add3A_10 = arith.addi %add3A_8, %add3A_9 : i32
      "tpu.region"() ({
        %run_scoped3A = tpu.sem_alloc : memref<!tpu.dma_semaphore, #tpu.memory_space<semaphore_mem>>
        %dma_start3A = tpu.memref_slice %arg2[%add3A_10] : memref<524288xi32, #tpu.memory_space<hbm>> -> memref<8192xi32, #tpu.memory_space<hbm>>
        %dma_start3A_69 = tpu.memref_slice %arg2[%add3A_10] : memref<524288xi32, #tpu.memory_space<hbm>> -> memref<8192xi32, #tpu.memory_space<hbm>>
        tpu.enqueue_dma source(%dma_start3A_69 : memref<8192xi32, #tpu.memory_space<hbm>>) target(%arg6 : memref<8192xi32, #tpu.memory_space<vmem>>) target_semaphore(%run_scoped3A : memref<!tpu.dma_semaphore, #tpu.memory_space<semaphore_mem>>)
        %dma_wait3A = tpu.memref_slice %arg2[%add3A_10] : memref<524288xi32, #tpu.memory_space<hbm>> -> memref<8192xi32, #tpu.memory_space<hbm>>
        %dma_wait3A_70 = tpu.memref_slice %arg2[%add3A_10] : memref<524288xi32, #tpu.memory_space<hbm>> -> memref<8192xi32, #tpu.memory_space<hbm>>
        tpu.wait_dma2 semaphore(%run_scoped3A : memref<!tpu.dma_semaphore, #tpu.memory_space<semaphore_mem>>) src(%dma_wait3A_70 : memref<8192xi32, #tpu.memory_space<hbm>>) dst(%arg6 : memref<8192xi32, #tpu.memory_space<vmem>>)
        tpu.yield
      }) : () -> ()
      %scan3A = arith.constant 0 : i32
      %scan3A_11 = arith.constant 512 : i32
      %scan3A_12 = arith.addi %scan3A, %scan3A_11 : i32
      %scan3A_13 = arith.constant 1 : i32
      scf.for %scan3A_69 = %scan3A to %scan3A_12 step %scan3A_13  : i32 {
        %mul3A_70 = arith.constant 16 : i32
        %mul3A_71 = arith.muli %scan3A_69, %mul3A_70 : i32
        %get3A = arith.index_cast %mul3A_71 : i32 to index
        %get3A_72 = tpu.vector_load %arg5[%get3A] {strides = array<i32>} : memref<8192xi32, #tpu.memory_space<vmem>>, vector<16xi32>,
        %get3A_73 = vector.shape_cast %get3A_72 : vector<16xi32> to vector<16xi32>
        %mul3A_74 = arith.constant 4096 : i32
        %mul3A_75 = vector.broadcast %mul3A_74 : i32 to vector<16xi32>
        %mul3A_76 = arith.muli %get3A_73, %mul3A_75 : vector<16xi32>
        %get3A_77 = arith.index_cast %mul3A_71 : i32 to index
        %get3A_78 = tpu.vector_load %arg6[%get3A_77] {strides = array<i32>} : memref<8192xi32, #tpu.memory_space<vmem>>, vector<16xi32>,
        %get3A_79 = vector.shape_cast %get3A_78 : vector<16xi32> to vector<16xi32>
        %add3A_80 = arith.addi %mul3A_76, %get3A_79 : vector<16xi32>
        %and3A = arith.constant 524287 : i32
        %and3A_81 = vector.broadcast %and3A : i32 to vector<16xi32>
        %and3A_82 = arith.andi %add3A_80, %and3A_81 : vector<16xi32>
        %swap3A = arith.index_cast %mul3A_71 : i32 to index
        %swap3A_83 = tpu.vector_load %arg5[%swap3A] {strides = array<i32>} : memref<8192xi32, #tpu.memory_space<vmem>>, vector<16xi32>,
        %swap3A_84 = vector.shape_cast %swap3A_83 : vector<16xi32> to vector<16xi32>
        %swap3A_85 = vector.shape_cast %and3A_82 : vector<16xi32> to vector<16xi32>
        tpu.vector_store %arg5[%swap3A], %swap3A_85 {strides = array<i32>} : memref<8192xi32, #tpu.memory_space<vmem>>, vector<16xi32>,
        %shift_right_logical3A = arith.constant 19 : i32
        %shift_right_logical3A_86 = vector.broadcast %shift_right_logical3A : i32 to vector<16xi32>
        %shift_right_logical3A_87 = arith.shrui %add3A_80, %shift_right_logical3A_86 : vector<16xi32>
        %swap3A_88 = arith.index_cast %mul3A_71 : i32 to index
        %swap3A_89 = tpu.vector_load %arg6[%swap3A_88] {strides = array<i32>} : memref<8192xi32, #tpu.memory_space<vmem>>, vector<16xi32>,
        %swap3A_90 = vector.shape_cast %swap3A_89 : vector<16xi32> to vector<16xi32>
        %swap3A_91 = vector.shape_cast %shift_right_logical3A_87 : vector<16xi32> to vector<16xi32>
        tpu.vector_store %arg6[%swap3A_88], %swap3A_91 {strides = array<i32>} : memref<8192xi32, #tpu.memory_space<vmem>>, vector<16xi32>,
      }
      %scan3A_14 = arith.constant 512 : i32
      %scan3A_15 = arith.constant 0 : i32
      %scan3A_16 = arith.constant 1024 : i32
      %scan3A_17 = arith.addi %scan3A_15, %scan3A_16 : i32
      %scan3A_18 = arith.constant 1 : i32
      scf.for %scan3A_69 = %scan3A_15 to %scan3A_17 step %scan3A_18  : i32 {
        %broadcast_in_dim3A = arith.constant 0.000000e+00 : f32
        %broadcast_in_dim3A_70 = vector.broadcast %broadcast_in_dim3A : f32 to vector<16xf32>
        %mul3A_71 = arith.constant 16 : i32
        %mul3A_72 = arith.muli %scan3A_69, %mul3A_71 : i32
        %swap3A = arith.index_cast %mul3A_72 : i32 to index
        %swap3A_73 = tpu.vector_load %arg9[%swap3A] {strides = array<i32>} : memref<16384xf32, #tpu.memory_space<vmem>>, vector<16xf32>,
        %swap3A_74 = vector.shape_cast %swap3A_73 : vector<16xf32> to vector<16xf32>
        %swap3A_75 = vector.shape_cast %broadcast_in_dim3A_70 : vector<16xf32> to vector<16xf32>
        tpu.vector_store %arg9[%swap3A], %swap3A_75 {strides = array<i32>} : memref<16384xf32, #tpu.memory_space<vmem>>, vector<16xf32>,
      }
      %scan3A_19 = arith.constant 1024 : i32
      %mul3A_20 = arith.constant 32768 : i32
      %mul3A_21 = arith.muli %arg1, %mul3A_20 : i32
      %add3A_22 = arith.constant 0 : i32
      %add3A_23 = arith.addi %add3A_22, %mul3A_21 : i32
      %add3A_24 = arith.constant 0 : i32
      %add3A_25 = arith.addi %add3A_23, %add3A_24 : i32
      "tpu.region"() ({
        %run_scoped3A = tpu.sem_alloc : memref<!tpu.dma_semaphore, #tpu.memory_space<semaphore_mem>>
        %dma_start3A = tpu.memref_slice %arg11[%add3A_25] : memref<1049600xf32, #tpu.memory_space<vmem_shared>> -> memref<16384xf32, #tpu.memory_space<vmem_shared>>
        %dma_start3A_69 = tpu.memref_slice %arg11[%add3A_25] : memref<1049600xf32, #tpu.memory_space<vmem_shared>> -> memref<16384xf32, #tpu.memory_space<vmem_shared>>
        tpu.enqueue_dma source(%arg9 : memref<16384xf32, #tpu.memory_space<vmem>>) target(%dma_start3A_69 : memref<16384xf32, #tpu.memory_space<vmem_shared>>) target_semaphore(%run_scoped3A : memref<!tpu.dma_semaphore, #tpu.memory_space<semaphore_mem>>)
        %dma_wait3A = tpu.memref_slice %arg11[%add3A_25] : memref<1049600xf32, #tpu.memory_space<vmem_shared>> -> memref<16384xf32, #tpu.memory_space<vmem_shared>>
        %dma_wait3A_70 = tpu.memref_slice %arg11[%add3A_25] : memref<1049600xf32, #tpu.memory_space<vmem_shared>> -> memref<16384xf32, #tpu.memory_space<vmem_shared>>
        tpu.wait_dma2 semaphore(%run_scoped3A : memref<!tpu.dma_semaphore, #tpu.memory_space<semaphore_mem>>) src(%arg9 : memref<16384xf32, #tpu.memory_space<vmem>>) dst(%dma_wait3A_70 : memref<16384xf32, #tpu.memory_space<vmem_shared>>)
        tpu.yield
      }) : () -> ()
      %mul3A_26 = arith.constant 32768 : i32
      %mul3A_27 = arith.muli %arg1, %mul3A_26 : i32
      %add3A_28 = arith.constant 0 : i32
      %add3A_29 = arith.addi %add3A_28, %mul3A_27 : i32
      %add3A_30 = arith.constant 16384 : i32
      %add3A_31 = arith.addi %add3A_29, %add3A_30 : i32
      "tpu.region"() ({
        %run_scoped3A = tpu.sem_alloc : memref<!tpu.dma_semaphore, #tpu.memory_space<semaphore_mem>>
        %dma_start3A = tpu.memref_slice %arg11[%add3A_31] : memref<1049600xf32, #tpu.memory_space<vmem_shared>> -> memref<16384xf32, #tpu.memory_space<vmem_shared>>
        %dma_start3A_69 = tpu.memref_slice %arg11[%add3A_31] : memref<1049600xf32, #tpu.memory_space<vmem_shared>> -> memref<16384xf32, #tpu.memory_space<vmem_shared>>
        tpu.enqueue_dma source(%arg9 : memref<16384xf32, #tpu.memory_space<vmem>>) target(%dma_start3A_69 : memref<16384xf32, #tpu.memory_space<vmem_shared>>) target_semaphore(%run_scoped3A : memref<!tpu.dma_semaphore, #tpu.memory_space<semaphore_mem>>)
        %dma_wait3A = tpu.memref_slice %arg11[%add3A_31] : memref<1049600xf32, #tpu.memory_space<vmem_shared>> -> memref<16384xf32, #tpu.memory_space<vmem_shared>>
        %dma_wait3A_70 = tpu.memref_slice %arg11[%add3A_31] : memref<1049600xf32, #tpu.memory_space<vmem_shared>> -> memref<16384xf32, #tpu.memory_space<vmem_shared>>
        tpu.wait_dma2 semaphore(%run_scoped3A : memref<!tpu.dma_semaphore, #tpu.memory_space<semaphore_mem>>) src(%arg9 : memref<16384xf32, #tpu.memory_space<vmem>>) dst(%dma_wait3A_70 : memref<16384xf32, #tpu.memory_space<vmem_shared>>)
        tpu.yield
      }) : () -> ()
      %mul3A_32 = arith.constant 32768 : i32
      %mul3A_33 = arith.muli %arg1, %mul3A_32 : i32
      %add3A_34 = arith.constant 524800 : i32
      %add3A_35 = arith.addi %add3A_34, %mul3A_33 : i32
      %add3A_36 = arith.constant 0 : i32
      %add3A_37 = arith.addi %add3A_35, %add3A_36 : i32
      "tpu.region"() ({
        %run_scoped3A = tpu.sem_alloc : memref<!tpu.dma_semaphore, #tpu.memory_space<semaphore_mem>>
        %dma_start3A = tpu.memref_slice %arg11[%add3A_37] : memref<1049600xf32, #tpu.memory_space<vmem_shared>> -> memref<16384xf32, #tpu.memory_space<vmem_shared>>
        %dma_start3A_69 = tpu.memref_slice %arg11[%add3A_37] : memref<1049600xf32, #tpu.memory_space<vmem_shared>> -> memref<16384xf32, #tpu.memory_space<vmem_shared>>
        tpu.enqueue_dma source(%arg9 : memref<16384xf32, #tpu.memory_space<vmem>>) target(%dma_start3A_69 : memref<16384xf32, #tpu.memory_space<vmem_shared>>) target_semaphore(%run_scoped3A : memref<!tpu.dma_semaphore, #tpu.memory_space<semaphore_mem>>)
        %dma_wait3A = tpu.memref_slice %arg11[%add3A_37] : memref<1049600xf32, #tpu.memory_space<vmem_shared>> -> memref<16384xf32, #tpu.memory_space<vmem_shared>>
        %dma_wait3A_70 = tpu.memref_slice %arg11[%add3A_37] : memref<1049600xf32, #tpu.memory_space<vmem_shared>> -> memref<16384xf32, #tpu.memory_space<vmem_shared>>
        tpu.wait_dma2 semaphore(%run_scoped3A : memref<!tpu.dma_semaphore, #tpu.memory_space<semaphore_mem>>) src(%arg9 : memref<16384xf32, #tpu.memory_space<vmem>>) dst(%dma_wait3A_70 : memref<16384xf32, #tpu.memory_space<vmem_shared>>)
        tpu.yield
      }) : () -> ()
      %mul3A_38 = arith.constant 32768 : i32
      %mul3A_39 = arith.muli %arg1, %mul3A_38 : i32
      %add3A_40 = arith.constant 524800 : i32
      %add3A_41 = arith.addi %add3A_40, %mul3A_39 : i32
      %add3A_42 = arith.constant 16384 : i32
      %add3A_43 = arith.addi %add3A_41, %add3A_42 : i32
      "tpu.region"() ({
        %run_scoped3A = tpu.sem_alloc : memref<!tpu.dma_semaphore, #tpu.memory_space<semaphore_mem>>
        %dma_start3A = tpu.memref_slice %arg11[%add3A_43] : memref<1049600xf32, #tpu.memory_space<vmem_shared>> -> memref<16384xf32, #tpu.memory_space<vmem_shared>>
        %dma_start3A_69 = tpu.memref_slice %arg11[%add3A_43] : memref<1049600xf32, #tpu.memory_space<vmem_shared>> -> memref<16384xf32, #tpu.memory_space<vmem_shared>>
        tpu.enqueue_dma source(%arg9 : memref<16384xf32, #tpu.memory_space<vmem>>) target(%dma_start3A_69 : memref<16384xf32, #tpu.memory_space<vmem_shared>>) target_semaphore(%run_scoped3A : memref<!tpu.dma_semaphore, #tpu.memory_space<semaphore_mem>>)
        %dma_wait3A = tpu.memref_slice %arg11[%add3A_43] : memref<1049600xf32, #tpu.memory_space<vmem_shared>> -> memref<16384xf32, #tpu.memory_space<vmem_shared>>
        %dma_wait3A_70 = tpu.memref_slice %arg11[%add3A_43] : memref<1049600xf32, #tpu.memory_space<vmem_shared>> -> memref<16384xf32, #tpu.memory_space<vmem_shared>>
        tpu.wait_dma2 semaphore(%run_scoped3A : memref<!tpu.dma_semaphore, #tpu.memory_space<semaphore_mem>>) src(%arg9 : memref<16384xf32, #tpu.memory_space<vmem>>) dst(%dma_wait3A_70 : memref<16384xf32, #tpu.memory_space<vmem_shared>>)
        tpu.yield
      }) : () -> ()
      %barrier3A = arith.constant 0 : index
      tpu.barrier barrier_id(%barrier3A)
      %scan3A_44 = arith.constant 0 : i32
      %scan3A_45 = arith.constant 32 : i32
      %scan3A_46 = arith.addi %scan3A_44, %scan3A_45 : i32
      %scan3A_47 = arith.constant 1 : i32
      scf.for %scan3A_69 = %scan3A_44 to %scan3A_46 step %scan3A_47  : i32 {
        %and3A = arith.constant 1 : i32
        %and3A_70 = arith.andi %scan3A_69, %and3A : i32
        %mul3A_71 = arith.constant 524800 : i32
        %mul3A_72 = arith.muli %and3A_70, %mul3A_71 : i32
        %mul3A_73 = arith.constant 524288 : i32
        %mul3A_74 = arith.muli %scan3A_69, %mul3A_73 : i32
        %scan3A_75 = arith.constant 0 : i32
        %scan3A_76 = arith.constant 128 : i32
        %scan3A_77 = arith.addi %scan3A_75, %scan3A_76 : i32
        %scan3A_78 = arith.constant 1 : i32
        scf.for %scan3A_91 = %scan3A_75 to %scan3A_77 step %scan3A_78  : i32 {
          %mul3A_92 = arith.constant 64 : i32
          %mul3A_93 = arith.muli %scan3A_91, %mul3A_92 : i32
          %add3A_94 = arith.constant 0 : i32
          %add3A_95 = arith.addi %mul3A_93, %add3A_94 : i32
          %get3A = arith.index_cast %add3A_95 : i32 to index
          %get3A_96 = tpu.vector_load %arg6[%get3A] {strides = array<i32>} : memref<8192xi32, #tpu.memory_space<vmem>>, vector<16xi32>,
          %get3A_97 = vector.shape_cast %get3A_96 : vector<16xi32> to vector<16xi32>
          %eq3A_98 = vector.broadcast %scan3A_69 : i32 to vector<16xi32>
          %eq3A_99 = arith.cmpi eq, %get3A_97, %eq3A_98 : vector<16xi32>
          %jit3A = arith.constant 1.000000e+00 : f32
          %jit3A_100 = arith.constant 0.000000e+00 : f32
          %broadcast_in_dim3A = vector.broadcast %jit3A : f32 to vector<16xf32>
          %broadcast_in_dim3A_101 = vector.broadcast %jit3A_100 : f32 to vector<16xf32>
          %select_n3A = arith.select %eq3A_99, %broadcast_in_dim3A, %broadcast_in_dim3A_101 : vector<16xi1>, vector<16xf32>
          %swap3A = arith.index_cast %add3A_95 : i32 to index
          %swap3A_102 = tpu.vector_load %arg8[%swap3A] {strides = array<i32>} : memref<8192xf32, #tpu.memory_space<vmem>>, vector<16xf32>,
          %swap3A_103 = vector.shape_cast %swap3A_102 : vector<16xf32> to vector<16xf32>
          %swap3A_104 = vector.shape_cast %select_n3A : vector<16xf32> to vector<16xf32>
          tpu.vector_store %arg8[%swap3A], %swap3A_104 {strides = array<i32>} : memref<8192xf32, #tpu.memory_space<vmem>>, vector<16xf32>,
          %get3A_105 = arith.index_cast %add3A_95 : i32 to index
          %get3A_106 = tpu.vector_load %arg5[%get3A_105] {strides = array<i32>} : memref<8192xi32, #tpu.memory_space<vmem>>, vector<16xi32>,
          %get3A_107 = vector.shape_cast %get3A_106 : vector<16xi32> to vector<16xi32>
          %add3A_108 = vector.broadcast %mul3A_72 : i32 to vector<16xi32>
          %add3A_109 = arith.addi %get3A_107, %add3A_108 : vector<16xi32>
          %swap3A_110 = arith.index_cast %add3A_95 : i32 to index
          %swap3A_111 = tpu.vector_load %arg7[%swap3A_110] {strides = array<i32>} : memref<8192xi32, #tpu.memory_space<vmem>>, vector<16xi32>,
          %swap3A_112 = vector.shape_cast %swap3A_111 : vector<16xi32> to vector<16xi32>
          %swap3A_113 = vector.shape_cast %add3A_109 : vector<16xi32> to vector<16xi32>
          tpu.vector_store %arg7[%swap3A_110], %swap3A_113 {strides = array<i32>} : memref<8192xi32, #tpu.memory_space<vmem>>, vector<16xi32>,
          %mul3A_114 = arith.constant 64 : i32
          %mul3A_115 = arith.muli %scan3A_91, %mul3A_114 : i32
          %add3A_116 = arith.constant 16 : i32
          %add3A_117 = arith.addi %mul3A_115, %add3A_116 : i32
          %get3A_118 = arith.index_cast %add3A_117 : i32 to index
          %get3A_119 = tpu.vector_load %arg6[%get3A_118] {strides = array<i32>} : memref<8192xi32, #tpu.memory_space<vmem>>, vector<16xi32>,
          %get3A_120 = vector.shape_cast %get3A_119 : vector<16xi32> to vector<16xi32>
          %eq3A_121 = vector.broadcast %scan3A_69 : i32 to vector<16xi32>
          %eq3A_122 = arith.cmpi eq, %get3A_120, %eq3A_121 : vector<16xi32>
          %jit3A_123 = arith.constant 1.000000e+00 : f32
          %jit3A_124 = arith.constant 0.000000e+00 : f32
          %broadcast_in_dim3A_125 = vector.broadcast %jit3A_123 : f32 to vector<16xf32>
          %broadcast_in_dim3A_126 = vector.broadcast %jit3A_124 : f32 to vector<16xf32>
          %select_n3A_127 = arith.select %eq3A_122, %broadcast_in_dim3A_125, %broadcast_in_dim3A_126 : vector<16xi1>, vector<16xf32>
          %swap3A_128 = arith.index_cast %add3A_117 : i32 to index
          %swap3A_129 = tpu.vector_load %arg8[%swap3A_128] {strides = array<i32>} : memref<8192xf32, #tpu.memory_space<vmem>>, vector<16xf32>,
          %swap3A_130 = vector.shape_cast %swap3A_129 : vector<16xf32> to vector<16xf32>
          %swap3A_131 = vector.shape_cast %select_n3A_127 : vector<16xf32> to vector<16xf32>
          tpu.vector_store %arg8[%swap3A_128], %swap3A_131 {strides = array<i32>} : memref<8192xf32, #tpu.memory_space<vmem>>, vector<16xf32>,
          %get3A_132 = arith.index_cast %add3A_117 : i32 to index
          %get3A_133 = tpu.vector_load %arg5[%get3A_132] {strides = array<i32>} : memref<8192xi32, #tpu.memory_space<vmem>>, vector<16xi32>,
          %get3A_134 = vector.shape_cast %get3A_133 : vector<16xi32> to vector<16xi32>
          %add3A_135 = vector.broadcast %mul3A_72 : i32 to vector<16xi32>
          %add3A_136 = arith.addi %get3A_134, %add3A_135 : vector<16xi32>
          %swap3A_137 = arith.index_cast %add3A_117 : i32 to index
          %swap3A_138 = tpu.vector_load %arg7[%swap3A_137] {strides = array<i32>} : memref<8192xi32, #tpu.memory_space<vmem>>, vector<16xi32>,
          %swap3A_139 = vector.shape_cast %swap3A_138 : vector<16xi32> to vector<16xi32>
          %swap3A_140 = vector.shape_cast %add3A_136 : vector<16xi32> to vector<16xi32>
          tpu.vector_store %arg7[%swap3A_137], %swap3A_140 {strides = array<i32>} : memref<8192xi32, #tpu.memory_space<vmem>>, vector<16xi32>,
          %mul3A_141 = arith.constant 64 : i32
          %mul3A_142 = arith.muli %scan3A_91, %mul3A_141 : i32
          %add3A_143 = arith.constant 32 : i32
          %add3A_144 = arith.addi %mul3A_142, %add3A_143 : i32
          %get3A_145 = arith.index_cast %add3A_144 : i32 to index
          %get3A_146 = tpu.vector_load %arg6[%get3A_145] {strides = array<i32>} : memref<8192xi32, #tpu.memory_space<vmem>>, vector<16xi32>,
          %get3A_147 = vector.shape_cast %get3A_146 : vector<16xi32> to vector<16xi32>
          %eq3A_148 = vector.broadcast %scan3A_69 : i32 to vector<16xi32>
          %eq3A_149 = arith.cmpi eq, %get3A_147, %eq3A_148 : vector<16xi32>
          %jit3A_150 = arith.constant 1.000000e+00 : f32
          %jit3A_151 = arith.constant 0.000000e+00 : f32
          %broadcast_in_dim3A_152 = vector.broadcast %jit3A_150 : f32 to vector<16xf32>
          %broadcast_in_dim3A_153 = vector.broadcast %jit3A_151 : f32 to vector<16xf32>
          %select_n3A_154 = arith.select %eq3A_149, %broadcast_in_dim3A_152, %broadcast_in_dim3A_153 : vector<16xi1>, vector<16xf32>
          %swap3A_155 = arith.index_cast %add3A_144 : i32 to index
          %swap3A_156 = tpu.vector_load %arg8[%swap3A_155] {strides = array<i32>} : memref<8192xf32, #tpu.memory_space<vmem>>, vector<16xf32>,
          %swap3A_157 = vector.shape_cast %swap3A_156 : vector<16xf32> to vector<16xf32>
          %swap3A_158 = vector.shape_cast %select_n3A_154 : vector<16xf32> to vector<16xf32>
          tpu.vector_store %arg8[%swap3A_155], %swap3A_158 {strides = array<i32>} : memref<8192xf32, #tpu.memory_space<vmem>>, vector<16xf32>,
          %get3A_159 = arith.index_cast %add3A_144 : i32 to index
          %get3A_160 = tpu.vector_load %arg5[%get3A_159] {strides = array<i32>} : memref<8192xi32, #tpu.memory_space<vmem>>, vector<16xi32>,
          %get3A_161 = vector.shape_cast %get3A_160 : vector<16xi32> to vector<16xi32>
          %add3A_162 = vector.broadcast %mul3A_72 : i32 to vector<16xi32>
          %add3A_163 = arith.addi %get3A_161, %add3A_162 : vector<16xi32>
          %swap3A_164 = arith.index_cast %add3A_144 : i32 to index
          %swap3A_165 = tpu.vector_load %arg7[%swap3A_164] {strides = array<i32>} : memref<8192xi32, #tpu.memory_space<vmem>>, vector<16xi32>,
          %swap3A_166 = vector.shape_cast %swap3A_165 : vector<16xi32> to vector<16xi32>
          %swap3A_167 = vector.shape_cast %add3A_163 : vector<16xi32> to vector<16xi32>
          tpu.vector_store %arg7[%swap3A_164], %swap3A_167 {strides = array<i32>} : memref<8192xi32, #tpu.memory_space<vmem>>, vector<16xi32>,
          %mul3A_168 = arith.constant 64 : i32
          %mul3A_169 = arith.muli %scan3A_91, %mul3A_168 : i32
          %add3A_170 = arith.constant 48 : i32
          %add3A_171 = arith.addi %mul3A_169, %add3A_170 : i32
          %get3A_172 = arith.index_cast %add3A_171 : i32 to index
          %get3A_173 = tpu.vector_load %arg6[%get3A_172] {strides = array<i32>} : memref<8192xi32, #tpu.memory_space<vmem>>, vector<16xi32>,
          %get3A_174 = vector.shape_cast %get3A_173 : vector<16xi32> to vector<16xi32>
          %eq3A_175 = vector.broadcast %scan3A_69 : i32 to vector<16xi32>
          %eq3A_176 = arith.cmpi eq, %get3A_174, %eq3A_175 : vector<16xi32>
          %jit3A_177 = arith.constant 1.000000e+00 : f32
          %jit3A_178 = arith.constant 0.000000e+00 : f32
          %broadcast_in_dim3A_179 = vector.broadcast %jit3A_177 : f32 to vector<16xf32>
          %broadcast_in_dim3A_180 = vector.broadcast %jit3A_178 : f32 to vector<16xf32>
          %select_n3A_181 = arith.select %eq3A_176, %broadcast_in_dim3A_179, %broadcast_in_dim3A_180 : vector<16xi1>, vector<16xf32>
          %swap3A_182 = arith.index_cast %add3A_171 : i32 to index
          %swap3A_183 = tpu.vector_load %arg8[%swap3A_182] {strides = array<i32>} : memref<8192xf32, #tpu.memory_space<vmem>>, vector<16xf32>,
          %swap3A_184 = vector.shape_cast %swap3A_183 : vector<16xf32> to vector<16xf32>
          %swap3A_185 = vector.shape_cast %select_n3A_181 : vector<16xf32> to vector<16xf32>
          tpu.vector_store %arg8[%swap3A_182], %swap3A_185 {strides = array<i32>} : memref<8192xf32, #tpu.memory_space<vmem>>, vector<16xf32>,
          %get3A_186 = arith.index_cast %add3A_171 : i32 to index
          %get3A_187 = tpu.vector_load %arg5[%get3A_186] {strides = array<i32>} : memref<8192xi32, #tpu.memory_space<vmem>>, vector<16xi32>,
          %get3A_188 = vector.shape_cast %get3A_187 : vector<16xi32> to vector<16xi32>
          %add3A_189 = vector.broadcast %mul3A_72 : i32 to vector<16xi32>
          %add3A_190 = arith.addi %get3A_188, %add3A_189 : vector<16xi32>
          %swap3A_191 = arith.index_cast %add3A_171 : i32 to index
          %swap3A_192 = tpu.vector_load %arg7[%swap3A_191] {strides = array<i32>} : memref<8192xi32, #tpu.memory_space<vmem>>, vector<16xi32>,
          %swap3A_193 = vector.shape_cast %swap3A_192 : vector<16xi32> to vector<16xi32>
          %swap3A_194 = vector.shape_cast %add3A_190 : vector<16xi32> to vector<16xi32>
          tpu.vector_store %arg7[%swap3A_191], %swap3A_194 {strides = array<i32>} : memref<8192xi32, #tpu.memory_space<vmem>>, vector<16xi32>,
        }
        %scan3A_79 = arith.constant 128 : i32
        "tpu.region"() ({
          %run_scoped3A = tpu.sem_alloc : memref<!tpu.dma_semaphore, #tpu.memory_space<semaphore_mem>>
          %dma_start3A = arith.constant 0 : i32
          %dma_start3A_91 = tpu.memref_slice %arg11[%dma_start3A] : memref<1049600xf32, #tpu.memory_space<vmem_shared>> -> memref<1049600xf32, #tpu.memory_space<vmem_shared>>
          tpu.enqueue_indirect_dma source(%arg8 : memref<8192xf32, #tpu.memory_space<vmem>>) target(%dma_start3A_91 : memref<1049600xf32, #tpu.memory_space<vmem_shared>>) offsets(%arg7 : memref<8192xi32, #tpu.memory_space<vmem>>) semaphore(%run_scoped3A : memref<!tpu.dma_semaphore, #tpu.memory_space<semaphore_mem>>) {add = true}
          %dma_wait3A = arith.constant 0 : i32
          %dma_wait3A_92 = tpu.memref_slice %arg11[%dma_wait3A] : memref<1049600xf32, #tpu.memory_space<vmem_shared>> -> memref<1049600xf32, #tpu.memory_space<vmem_shared>>
          tpu.wait_indirect_dma semaphore(%run_scoped3A : memref<!tpu.dma_semaphore, #tpu.memory_space<semaphore_mem>>) src(%arg8 : memref<8192xf32, #tpu.memory_space<vmem>>) dst(%dma_wait3A_92 : memref<1049600xf32, #tpu.memory_space<vmem_shared>>)
          tpu.yield
        }) : () -> ()
        %add3A_80 = arith.constant 524304 : i32
        %add3A_81 = arith.addi %mul3A_72, %add3A_80 : i32
        %mul3A_82 = arith.constant 16 : i32
        %mul3A_83 = arith.muli %arg1, %mul3A_82 : i32
        %add3A_84 = arith.addi %add3A_81, %mul3A_83 : i32
        "tpu.region"() ({
          %run_scoped3A = tpu.sem_alloc : memref<!tpu.dma_semaphore, #tpu.memory_space<semaphore_mem>>
          %dma_start3A = tpu.memref_slice %arg11[%add3A_84] : memref<1049600xf32, #tpu.memory_space<vmem_shared>> -> memref<16xf32, #tpu.memory_space<vmem_shared>>
          %dma_start3A_91 = tpu.memref_slice %arg11[%add3A_84] : memref<1049600xf32, #tpu.memory_space<vmem_shared>> -> memref<16xf32, #tpu.memory_space<vmem_shared>>
          tpu.enqueue_dma source(%arg10 : memref<16xf32, #tpu.memory_space<vmem>>) target(%dma_start3A_91 : memref<16xf32, #tpu.memory_space<vmem_shared>>) target_semaphore(%run_scoped3A : memref<!tpu.dma_semaphore, #tpu.memory_space<semaphore_mem>>)
          %dma_wait3A = tpu.memref_slice %arg11[%add3A_84] : memref<1049600xf32, #tpu.memory_space<vmem_shared>> -> memref<16xf32, #tpu.memory_space<vmem_shared>>
          %dma_wait3A_92 = tpu.memref_slice %arg11[%add3A_84] : memref<1049600xf32, #tpu.memory_space<vmem_shared>> -> memref<16xf32, #tpu.memory_space<vmem_shared>>
          tpu.wait_dma2 semaphore(%run_scoped3A : memref<!tpu.dma_semaphore, #tpu.memory_space<semaphore_mem>>) src(%arg10 : memref<16xf32, #tpu.memory_space<vmem>>) dst(%dma_wait3A_92 : memref<16xf32, #tpu.memory_space<vmem_shared>>)
          tpu.yield
        }) : () -> ()
        "tpu.region"() ({
          %run_scoped3A = tpu.sem_alloc : memref<!tpu.dma_semaphore, #tpu.memory_space<semaphore_mem>>
          %dma_start3A = tpu.memref_slice %arg11[%add3A_84] : memref<1049600xf32, #tpu.memory_space<vmem_shared>> -> memref<16xf32, #tpu.memory_space<vmem_shared>>
          %dma_start3A_91 = tpu.memref_slice %arg11[%add3A_84] : memref<1049600xf32, #tpu.memory_space<vmem_shared>> -> memref<16xf32, #tpu.memory_space<vmem_shared>>
          tpu.enqueue_dma source(%dma_start3A_91 : memref<16xf32, #tpu.memory_space<vmem_shared>>) target(%arg10 : memref<16xf32, #tpu.memory_space<vmem>>) target_semaphore(%run_scoped3A : memref<!tpu.dma_semaphore, #tpu.memory_space<semaphore_mem>>)
          %dma_wait3A = tpu.memref_slice %arg11[%add3A_84] : memref<1049600xf32, #tpu.memory_space<vmem_shared>> -> memref<16xf32, #tpu.memory_space<vmem_shared>>
          %dma_wait3A_92 = tpu.memref_slice %arg11[%add3A_84] : memref<1049600xf32, #tpu.memory_space<vmem_shared>> -> memref<16xf32, #tpu.memory_space<vmem_shared>>
          tpu.wait_dma2 semaphore(%run_scoped3A : memref<!tpu.dma_semaphore, #tpu.memory_space<semaphore_mem>>) src(%dma_wait3A_92 : memref<16xf32, #tpu.memory_space<vmem_shared>>) dst(%arg10 : memref<16xf32, #tpu.memory_space<vmem>>)
          tpu.yield
        }) : () -> ()
        %barrier3A_85 = arith.constant 0 : index
        tpu.barrier barrier_id(%barrier3A_85)
        %gt3A = arith.constant 0 : i32
        %gt3A_86 = arith.cmpi sgt, %scan3A_69, %gt3A : i32
        %convert_element_type3A_87 = arith.extui %gt3A_86 : i1 to i32
        %cond3A_88 = arith.constant 0 : i32
        %cond3A_89 = arith.cmpi ne, %convert_element_type3A_87, %cond3A_88 : i32
        scf.if %cond3A_89 {
          %sub3A = arith.constant 1 : i32
          %sub3A_91 = arith.subi %scan3A_69, %sub3A : i32
          %and3A_92 = arith.constant 1 : i32
          %and3A_93 = arith.andi %scan3A_69, %and3A_92 : i32
          %sub3A_94 = arith.constant 1 : i32
          %sub3A_95 = arith.subi %sub3A_94, %and3A_93 : i32
          %mul3A_96 = arith.constant 524800 : i32
          %mul3A_97 = arith.muli %sub3A_95, %mul3A_96 : i32
          %mul3A_98 = arith.constant 32768 : i32
          %mul3A_99 = arith.muli %arg1, %mul3A_98 : i32
          %add3A_100 = arith.addi %mul3A_97, %mul3A_99 : i32
          %mul3A_101 = arith.constant 524288 : i32
          %mul3A_102 = arith.muli %sub3A_91, %mul3A_101 : i32
          %mul3A_103 = arith.constant 32768 : i32
          %mul3A_104 = arith.muli %arg1, %mul3A_103 : i32
          %add3A_105 = arith.addi %mul3A_102, %mul3A_104 : i32
          "tpu.region"() ({
            %run_scoped3A = tpu.sem_alloc : memref<!tpu.dma_semaphore, #tpu.memory_space<semaphore_mem>>
            %dma_start3A = tpu.memref_slice %arg3[%add3A_105] : memref<16777216xf32, #tpu.memory_space<hbm>> -> memref<32768xf32, #tpu.memory_space<hbm>>
            %dma_start3A_116 = tpu.memref_slice %arg11[%add3A_100] : memref<1049600xf32, #tpu.memory_space<vmem_shared>> -> memref<32768xf32, #tpu.memory_space<vmem_shared>>
            tpu.enqueue_dma source(%dma_start3A_116 : memref<32768xf32, #tpu.memory_space<vmem_shared>>) target(%dma_start3A : memref<32768xf32, #tpu.memory_space<hbm>>) target_semaphore(%run_scoped3A : memref<!tpu.dma_semaphore, #tpu.memory_space<semaphore_mem>>)
            %dma_wait3A = tpu.memref_slice %arg3[%add3A_105] : memref<16777216xf32, #tpu.memory_space<hbm>> -> memref<32768xf32, #tpu.memory_space<hbm>>
            %dma_wait3A_117 = tpu.memref_slice %arg11[%add3A_100] : memref<1049600xf32, #tpu.memory_space<vmem_shared>> -> memref<32768xf32, #tpu.memory_space<vmem_shared>>
            tpu.wait_dma2 semaphore(%run_scoped3A : memref<!tpu.dma_semaphore, #tpu.memory_space<semaphore_mem>>) src(%dma_wait3A_117 : memref<32768xf32, #tpu.memory_space<vmem_shared>>) dst(%dma_wait3A : memref<32768xf32, #tpu.memory_space<hbm>>)
            tpu.yield
          }) : () -> ()
          %mul3A_106 = arith.constant 32768 : i32
          %mul3A_107 = arith.muli %arg1, %mul3A_106 : i32
          %add3A_108 = arith.addi %mul3A_97, %mul3A_107 : i32
          %add3A_109 = arith.constant 0 : i32
          %add3A_110 = arith.addi %add3A_108, %add3A_109 : i32
          "tpu.region"() ({
            %run_scoped3A = tpu.sem_alloc : memref<!tpu.dma_semaphore, #tpu.memory_space<semaphore_mem>>
            %dma_start3A = tpu.memref_slice %arg11[%add3A_110] : memref<1049600xf32, #tpu.memory_space<vmem_shared>> -> memref<16384xf32, #tpu.memory_space<vmem_shared>>
            %dma_start3A_116 = tpu.memref_slice %arg11[%add3A_110] : memref<1049600xf32, #tpu.memory_space<vmem_shared>> -> memref<16384xf32, #tpu.memory_space<vmem_shared>>
            tpu.enqueue_dma source(%arg9 : memref<16384xf32, #tpu.memory_space<vmem>>) target(%dma_start3A_116 : memref<16384xf32, #tpu.memory_space<vmem_shared>>) target_semaphore(%run_scoped3A : memref<!tpu.dma_semaphore, #tpu.memory_space<semaphore_mem>>)
            %dma_wait3A = tpu.memref_slice %arg11[%add3A_110] : memref<1049600xf32, #tpu.memory_space<vmem_shared>> -> memref<16384xf32, #tpu.memory_space<vmem_shared>>
            %dma_wait3A_117 = tpu.memref_slice %arg11[%add3A_110] : memref<1049600xf32, #tpu.memory_space<vmem_shared>> -> memref<16384xf32, #tpu.memory_space<vmem_shared>>
            tpu.wait_dma2 semaphore(%run_scoped3A : memref<!tpu.dma_semaphore, #tpu.memory_space<semaphore_mem>>) src(%arg9 : memref<16384xf32, #tpu.memory_space<vmem>>) dst(%dma_wait3A_117 : memref<16384xf32, #tpu.memory_space<vmem_shared>>)
            tpu.yield
          }) : () -> ()
          %mul3A_111 = arith.constant 32768 : i32
          %mul3A_112 = arith.muli %arg1, %mul3A_111 : i32
          %add3A_113 = arith.addi %mul3A_97, %mul3A_112 : i32
          %add3A_114 = arith.constant 16384 : i32
          %add3A_115 = arith.addi %add3A_113, %add3A_114 : i32
          "tpu.region"() ({
            %run_scoped3A = tpu.sem_alloc : memref<!tpu.dma_semaphore, #tpu.memory_space<semaphore_mem>>
            %dma_start3A = tpu.memref_slice %arg11[%add3A_115] : memref<1049600xf32, #tpu.memory_space<vmem_shared>> -> memref<16384xf32, #tpu.memory_space<vmem_shared>>
            %dma_start3A_116 = tpu.memref_slice %arg11[%add3A_115] : memref<1049600xf32, #tpu.memory_space<vmem_shared>> -> memref<16384xf32, #tpu.memory_space<vmem_shared>>
            tpu.enqueue_dma source(%arg9 : memref<16384xf32, #tpu.memory_space<vmem>>) target(%dma_start3A_116 : memref<16384xf32, #tpu.memory_space<vmem_shared>>) target_semaphore(%run_scoped3A : memref<!tpu.dma_semaphore, #tpu.memory_space<semaphore_mem>>)
            %dma_wait3A = tpu.memref_slice %arg11[%add3A_115] : memref<1049600xf32, #tpu.memory_space<vmem_shared>> -> memref<16384xf32, #tpu.memory_space<vmem_shared>>
            %dma_wait3A_117 = tpu.memref_slice %arg11[%add3A_115] : memref<1049600xf32, #tpu.memory_space<vmem_shared>> -> memref<16384xf32, #tpu.memory_space<vmem_shared>>
            tpu.wait_dma2 semaphore(%run_scoped3A : memref<!tpu.dma_semaphore, #tpu.memory_space<semaphore_mem>>) src(%arg9 : memref<16384xf32, #tpu.memory_space<vmem>>) dst(%dma_wait3A_117 : memref<16384xf32, #tpu.memory_space<vmem_shared>>)
            tpu.yield
          }) : () -> ()
        } else {
        }
        %barrier3A_90 = arith.constant 0 : index
        tpu.barrier barrier_id(%barrier3A_90)
      }
      %scan3A_48 = arith.constant 32 : i32
      %delay3A = arith.constant 16384 : i32
      tpu.delay %delay3A
      %mul3A_49 = arith.constant 32768 : i32
      %mul3A_50 = arith.muli %arg1, %mul3A_49 : i32
      %add3A_51 = arith.constant 524800 : i32
      %add3A_52 = arith.addi %add3A_51, %mul3A_50 : i32
      %mul3A_53 = arith.constant 32768 : i32
      %mul3A_54 = arith.muli %arg1, %mul3A_53 : i32
      %add3A_55 = arith.constant 16252928 : i32
      %add3A_56 = arith.addi %add3A_55, %mul3A_54 : i32
      "tpu.region"() ({
        %run_scoped3A = tpu.sem_alloc : memref<!tpu.dma_semaphore, #tpu.memory_space<semaphore_mem>>
        %dma_start3A = tpu.memref_slice %arg3[%add3A_56] : memref<16777216xf32, #tpu.memory_space<hbm>> -> memref<32768xf32, #tpu.memory_space<hbm>>
        %dma_start3A_69 = tpu.memref_slice %arg11[%add3A_52] : memref<1049600xf32, #tpu.memory_space<vmem_shared>> -> memref<32768xf32, #tpu.memory_space<vmem_shared>>
        tpu.enqueue_dma source(%dma_start3A_69 : memref<32768xf32, #tpu.memory_space<vmem_shared>>) target(%dma_start3A : memref<32768xf32, #tpu.memory_space<hbm>>) target_semaphore(%run_scoped3A : memref<!tpu.dma_semaphore, #tpu.memory_space<semaphore_mem>>)
        %dma_wait3A = tpu.memref_slice %arg3[%add3A_56] : memref<16777216xf32, #tpu.memory_space<hbm>> -> memref<32768xf32, #tpu.memory_space<hbm>>
        %dma_wait3A_70 = tpu.memref_slice %arg11[%add3A_52] : memref<1049600xf32, #tpu.memory_space<vmem_shared>> -> memref<32768xf32, #tpu.memory_space<vmem_shared>>
        tpu.wait_dma2 semaphore(%run_scoped3A : memref<!tpu.dma_semaphore, #tpu.memory_space<semaphore_mem>>) src(%dma_wait3A_70 : memref<32768xf32, #tpu.memory_space<vmem_shared>>) dst(%dma_wait3A : memref<32768xf32, #tpu.memory_space<hbm>>)
        tpu.yield
      }) : () -> ()
      %mul3A_57 = arith.constant 32768 : i32
      %mul3A_58 = arith.muli %arg1, %mul3A_57 : i32
      %add3A_59 = arith.constant 524800 : i32
      %add3A_60 = arith.addi %add3A_59, %mul3A_58 : i32
      %add3A_61 = arith.constant 0 : i32
      %add3A_62 = arith.addi %add3A_60, %add3A_61 : i32
      "tpu.region"() ({
        %run_scoped3A = tpu.sem_alloc : memref<!tpu.dma_semaphore, #tpu.memory_space<semaphore_mem>>
        %dma_start3A = tpu.memref_slice %arg11[%add3A_62] : memref<1049600xf32, #tpu.memory_space<vmem_shared>> -> memref<16384xf32, #tpu.memory_space<vmem_shared>>
        %dma_start3A_69 = tpu.memref_slice %arg11[%add3A_62] : memref<1049600xf32, #tpu.memory_space<vmem_shared>> -> memref<16384xf32, #tpu.memory_space<vmem_shared>>
        tpu.enqueue_dma source(%arg9 : memref<16384xf32, #tpu.memory_space<vmem>>) target(%dma_start3A_69 : memref<16384xf32, #tpu.memory_space<vmem_shared>>) target_semaphore(%run_scoped3A : memref<!tpu.dma_semaphore, #tpu.memory_space<semaphore_mem>>)
        %dma_wait3A = tpu.memref_slice %arg11[%add3A_62] : memref<1049600xf32, #tpu.memory_space<vmem_shared>> -> memref<16384xf32, #tpu.memory_space<vmem_shared>>
        %dma_wait3A_70 = tpu.memref_slice %arg11[%add3A_62] : memref<1049600xf32, #tpu.memory_space<vmem_shared>> -> memref<16384xf32, #tpu.memory_space<vmem_shared>>
        tpu.wait_dma2 semaphore(%run_scoped3A : memref<!tpu.dma_semaphore, #tpu.memory_space<semaphore_mem>>) src(%arg9 : memref<16384xf32, #tpu.memory_space<vmem>>) dst(%dma_wait3A_70 : memref<16384xf32, #tpu.memory_space<vmem_shared>>)
        tpu.yield
      }) : () -> ()
      %mul3A_63 = arith.constant 32768 : i32
      %mul3A_64 = arith.muli %arg1, %mul3A_63 : i32
      %add3A_65 = arith.constant 524800 : i32
      %add3A_66 = arith.addi %add3A_65, %mul3A_64 : i32
      %add3A_67 = arith.constant 16384 : i32
      %add3A_68 = arith.addi %add3A_66, %add3A_67 : i32
      "tpu.region"() ({
        %run_scoped3A = tpu.sem_alloc : memref<!tpu.dma_semaphore, #tpu.memory_space<semaphore_mem>>
        %dma_start3A = tpu.memref_slice %arg11[%add3A_68] : memref<1049600xf32, #tpu.memory_space<vmem_shared>> -> memref<16384xf32, #tpu.memory_space<vmem_shared>>
        %dma_start3A_69 = tpu.memref_slice %arg11[%add3A_68] : memref<1049600xf32, #tpu.memory_space<vmem_shared>> -> memref<16384xf32, #tpu.memory_space<vmem_shared>>
        tpu.enqueue_dma source(%arg9 : memref<16384xf32, #tpu.memory_space<vmem>>) target(%dma_start3A_69 : memref<16384xf32, #tpu.memory_space<vmem_shared>>) target_semaphore(%run_scoped3A : memref<!tpu.dma_semaphore, #tpu.memory_space<semaphore_mem>>)
        %dma_wait3A = tpu.memref_slice %arg11[%add3A_68] : memref<1049600xf32, #tpu.memory_space<vmem_shared>> -> memref<16384xf32, #tpu.memory_space<vmem_shared>>
        %dma_wait3A_70 = tpu.memref_slice %arg11[%add3A_68] : memref<1049600xf32, #tpu.memory_space<vmem_shared>> -> memref<16384xf32, #tpu.memory_space<vmem_shared>>
        tpu.wait_dma2 semaphore(%run_scoped3A : memref<!tpu.dma_semaphore, #tpu.memory_space<semaphore_mem>>) src(%arg9 : memref<16384xf32, #tpu.memory_space<vmem>>) dst(%dma_wait3A_70 : memref<16384xf32, #tpu.memory_space<vmem_shared>>)
        tpu.yield
      }) : () -> ()
    } else {
    }
    %eq3A_2 = arith.constant 1 : i32
    %eq3A_3 = arith.cmpi eq, %arg0, %eq3A_2 : i32
    %convert_element_type3A_4 = arith.extui %eq3A_3 : i1 to i32
    %cond3A_5 = arith.constant 0 : i32
    %cond3A_6 = arith.cmpi ne, %convert_element_type3A_4, %cond3A_5 : i32
    scf.if %cond3A_6 {
      %mul3A = arith.constant 8192 : i32
      %mul3A_7 = arith.muli %arg1, %mul3A : i32
      %add3A = arith.constant 262144 : i32
      %add3A_8 = arith.addi %add3A, %mul3A_7 : i32
      "tpu.region"() ({
        %run_scoped3A = tpu.sem_alloc : memref<!tpu.dma_semaphore, #tpu.memory_space<semaphore_mem>>
        %dma_start3A = tpu.memref_slice %arg2[%add3A_8] : memref<524288xi32, #tpu.memory_space<hbm>> -> memref<8192xi32, #tpu.memory_space<hbm>>
        %dma_start3A_69 = tpu.memref_slice %arg2[%add3A_8] : memref<524288xi32, #tpu.memory_space<hbm>> -> memref<8192xi32, #tpu.memory_space<hbm>>
        tpu.enqueue_dma source(%dma_start3A_69 : memref<8192xi32, #tpu.memory_space<hbm>>) target(%arg5 : memref<8192xi32, #tpu.memory_space<vmem>>) target_semaphore(%run_scoped3A : memref<!tpu.dma_semaphore, #tpu.memory_space<semaphore_mem>>)
        %dma_wait3A = tpu.memref_slice %arg2[%add3A_8] : memref<524288xi32, #tpu.memory_space<hbm>> -> memref<8192xi32, #tpu.memory_space<hbm>>
        %dma_wait3A_70 = tpu.memref_slice %arg2[%add3A_8] : memref<524288xi32, #tpu.memory_space<hbm>> -> memref<8192xi32, #tpu.memory_space<hbm>>
        tpu.wait_dma2 semaphore(%run_scoped3A : memref<!tpu.dma_semaphore, #tpu.memory_space<semaphore_mem>>) src(%dma_wait3A_70 : memref<8192xi32, #tpu.memory_space<hbm>>) dst(%arg5 : memref<8192xi32, #tpu.memory_space<vmem>>)
        tpu.yield
      }) : () -> ()
      %add3A_9 = arith.constant 131072 : i32
      %add3A_10 = arith.addi %add3A_8, %add3A_9 : i32
      "tpu.region"() ({
        %run_scoped3A = tpu.sem_alloc : memref<!tpu.dma_semaphore, #tpu.memory_space<semaphore_mem>>
        %dma_start3A = tpu.memref_slice %arg2[%add3A_10] : memref<524288xi32, #tpu.memory_space<hbm>> -> memref<8192xi32, #tpu.memory_space<hbm>>
        %dma_start3A_69 = tpu.memref_slice %arg2[%add3A_10] : memref<524288xi32, #tpu.memory_space<hbm>> -> memref<8192xi32, #tpu.memory_space<hbm>>
        tpu.enqueue_dma source(%dma_start3A_69 : memref<8192xi32, #tpu.memory_space<hbm>>) target(%arg6 : memref<8192xi32, #tpu.memory_space<vmem>>) target_semaphore(%run_scoped3A : memref<!tpu.dma_semaphore, #tpu.memory_space<semaphore_mem>>)
        %dma_wait3A = tpu.memref_slice %arg2[%add3A_10] : memref<524288xi32, #tpu.memory_space<hbm>> -> memref<8192xi32, #tpu.memory_space<hbm>>
        %dma_wait3A_70 = tpu.memref_slice %arg2[%add3A_10] : memref<524288xi32, #tpu.memory_space<hbm>> -> memref<8192xi32, #tpu.memory_space<hbm>>
        tpu.wait_dma2 semaphore(%run_scoped3A : memref<!tpu.dma_semaphore, #tpu.memory_space<semaphore_mem>>) src(%dma_wait3A_70 : memref<8192xi32, #tpu.memory_space<hbm>>) dst(%arg6 : memref<8192xi32, #tpu.memory_space<vmem>>)
        tpu.yield
      }) : () -> ()
      %scan3A = arith.constant 0 : i32
      %scan3A_11 = arith.constant 512 : i32
      %scan3A_12 = arith.addi %scan3A, %scan3A_11 : i32
      %scan3A_13 = arith.constant 1 : i32
      scf.for %scan3A_69 = %scan3A to %scan3A_12 step %scan3A_13  : i32 {
        %mul3A_70 = arith.constant 16 : i32
        %mul3A_71 = arith.muli %scan3A_69, %mul3A_70 : i32
        %get3A = arith.index_cast %mul3A_71 : i32 to index
        %get3A_72 = tpu.vector_load %arg5[%get3A] {strides = array<i32>} : memref<8192xi32, #tpu.memory_space<vmem>>, vector<16xi32>,
        %get3A_73 = vector.shape_cast %get3A_72 : vector<16xi32> to vector<16xi32>
        %mul3A_74 = arith.constant 4096 : i32
        %mul3A_75 = vector.broadcast %mul3A_74 : i32 to vector<16xi32>
        %mul3A_76 = arith.muli %get3A_73, %mul3A_75 : vector<16xi32>
        %get3A_77 = arith.index_cast %mul3A_71 : i32 to index
        %get3A_78 = tpu.vector_load %arg6[%get3A_77] {strides = array<i32>} : memref<8192xi32, #tpu.memory_space<vmem>>, vector<16xi32>,
        %get3A_79 = vector.shape_cast %get3A_78 : vector<16xi32> to vector<16xi32>
        %add3A_80 = arith.addi %mul3A_76, %get3A_79 : vector<16xi32>
        %and3A = arith.constant 524287 : i32
        %and3A_81 = vector.broadcast %and3A : i32 to vector<16xi32>
        %and3A_82 = arith.andi %add3A_80, %and3A_81 : vector<16xi32>
        %swap3A = arith.index_cast %mul3A_71 : i32 to index
        %swap3A_83 = tpu.vector_load %arg5[%swap3A] {strides = array<i32>} : memref<8192xi32, #tpu.memory_space<vmem>>, vector<16xi32>,
        %swap3A_84 = vector.shape_cast %swap3A_83 : vector<16xi32> to vector<16xi32>
        %swap3A_85 = vector.shape_cast %and3A_82 : vector<16xi32> to vector<16xi32>
        tpu.vector_store %arg5[%swap3A], %swap3A_85 {strides = array<i32>} : memref<8192xi32, #tpu.memory_space<vmem>>, vector<16xi32>,
        %shift_right_logical3A = arith.constant 19 : i32
        %shift_right_logical3A_86 = vector.broadcast %shift_right_logical3A : i32 to vector<16xi32>
        %shift_right_logical3A_87 = arith.shrui %add3A_80, %shift_right_logical3A_86 : vector<16xi32>
        %swap3A_88 = arith.index_cast %mul3A_71 : i32 to index
        %swap3A_89 = tpu.vector_load %arg6[%swap3A_88] {strides = array<i32>} : memref<8192xi32, #tpu.memory_space<vmem>>, vector<16xi32>,
        %swap3A_90 = vector.shape_cast %swap3A_89 : vector<16xi32> to vector<16xi32>
        %swap3A_91 = vector.shape_cast %shift_right_logical3A_87 : vector<16xi32> to vector<16xi32>
        tpu.vector_store %arg6[%swap3A_88], %swap3A_91 {strides = array<i32>} : memref<8192xi32, #tpu.memory_space<vmem>>, vector<16xi32>,
      }
      %scan3A_14 = arith.constant 512 : i32
      %scan3A_15 = arith.constant 0 : i32
      %scan3A_16 = arith.constant 1024 : i32
      %scan3A_17 = arith.addi %scan3A_15, %scan3A_16 : i32
      %scan3A_18 = arith.constant 1 : i32
      scf.for %scan3A_69 = %scan3A_15 to %scan3A_17 step %scan3A_18  : i32 {
        %broadcast_in_dim3A = arith.constant 0.000000e+00 : f32
        %broadcast_in_dim3A_70 = vector.broadcast %broadcast_in_dim3A : f32 to vector<16xf32>
        %mul3A_71 = arith.constant 16 : i32
        %mul3A_72 = arith.muli %scan3A_69, %mul3A_71 : i32
        %swap3A = arith.index_cast %mul3A_72 : i32 to index
        %swap3A_73 = tpu.vector_load %arg9[%swap3A] {strides = array<i32>} : memref<16384xf32, #tpu.memory_space<vmem>>, vector<16xf32>,
        %swap3A_74 = vector.shape_cast %swap3A_73 : vector<16xf32> to vector<16xf32>
        %swap3A_75 = vector.shape_cast %broadcast_in_dim3A_70 : vector<16xf32> to vector<16xf32>
        tpu.vector_store %arg9[%swap3A], %swap3A_75 {strides = array<i32>} : memref<16384xf32, #tpu.memory_space<vmem>>, vector<16xf32>,
      }
      %scan3A_19 = arith.constant 1024 : i32
      %mul3A_20 = arith.constant 32768 : i32
      %mul3A_21 = arith.muli %arg1, %mul3A_20 : i32
      %add3A_22 = arith.constant 0 : i32
      %add3A_23 = arith.addi %add3A_22, %mul3A_21 : i32
      %add3A_24 = arith.constant 0 : i32
      %add3A_25 = arith.addi %add3A_23, %add3A_24 : i32
      "tpu.region"() ({
        %run_scoped3A = tpu.sem_alloc : memref<!tpu.dma_semaphore, #tpu.memory_space<semaphore_mem>>
        %dma_start3A = tpu.memref_slice %arg11[%add3A_25] : memref<1049600xf32, #tpu.memory_space<vmem_shared>> -> memref<16384xf32, #tpu.memory_space<vmem_shared>>
        %dma_start3A_69 = tpu.memref_slice %arg11[%add3A_25] : memref<1049600xf32, #tpu.memory_space<vmem_shared>> -> memref<16384xf32, #tpu.memory_space<vmem_shared>>
        tpu.enqueue_dma source(%arg9 : memref<16384xf32, #tpu.memory_space<vmem>>) target(%dma_start3A_69 : memref<16384xf32, #tpu.memory_space<vmem_shared>>) target_semaphore(%run_scoped3A : memref<!tpu.dma_semaphore, #tpu.memory_space<semaphore_mem>>)
        %dma_wait3A = tpu.memref_slice %arg11[%add3A_25] : memref<1049600xf32, #tpu.memory_space<vmem_shared>> -> memref<16384xf32, #tpu.memory_space<vmem_shared>>
        %dma_wait3A_70 = tpu.memref_slice %arg11[%add3A_25] : memref<1049600xf32, #tpu.memory_space<vmem_shared>> -> memref<16384xf32, #tpu.memory_space<vmem_shared>>
        tpu.wait_dma2 semaphore(%run_scoped3A : memref<!tpu.dma_semaphore, #tpu.memory_space<semaphore_mem>>) src(%arg9 : memref<16384xf32, #tpu.memory_space<vmem>>) dst(%dma_wait3A_70 : memref<16384xf32, #tpu.memory_space<vmem_shared>>)
        tpu.yield
      }) : () -> ()
      %mul3A_26 = arith.constant 32768 : i32
      %mul3A_27 = arith.muli %arg1, %mul3A_26 : i32
      %add3A_28 = arith.constant 0 : i32
      %add3A_29 = arith.addi %add3A_28, %mul3A_27 : i32
      %add3A_30 = arith.constant 16384 : i32
      %add3A_31 = arith.addi %add3A_29, %add3A_30 : i32
      "tpu.region"() ({
        %run_scoped3A = tpu.sem_alloc : memref<!tpu.dma_semaphore, #tpu.memory_space<semaphore_mem>>
        %dma_start3A = tpu.memref_slice %arg11[%add3A_31] : memref<1049600xf32, #tpu.memory_space<vmem_shared>> -> memref<16384xf32, #tpu.memory_space<vmem_shared>>
        %dma_start3A_69 = tpu.memref_slice %arg11[%add3A_31] : memref<1049600xf32, #tpu.memory_space<vmem_shared>> -> memref<16384xf32, #tpu.memory_space<vmem_shared>>
        tpu.enqueue_dma source(%arg9 : memref<16384xf32, #tpu.memory_space<vmem>>) target(%dma_start3A_69 : memref<16384xf32, #tpu.memory_space<vmem_shared>>) target_semaphore(%run_scoped3A : memref<!tpu.dma_semaphore, #tpu.memory_space<semaphore_mem>>)
        %dma_wait3A = tpu.memref_slice %arg11[%add3A_31] : memref<1049600xf32, #tpu.memory_space<vmem_shared>> -> memref<16384xf32, #tpu.memory_space<vmem_shared>>
        %dma_wait3A_70 = tpu.memref_slice %arg11[%add3A_31] : memref<1049600xf32, #tpu.memory_space<vmem_shared>> -> memref<16384xf32, #tpu.memory_space<vmem_shared>>
        tpu.wait_dma2 semaphore(%run_scoped3A : memref<!tpu.dma_semaphore, #tpu.memory_space<semaphore_mem>>) src(%arg9 : memref<16384xf32, #tpu.memory_space<vmem>>) dst(%dma_wait3A_70 : memref<16384xf32, #tpu.memory_space<vmem_shared>>)
        tpu.yield
      }) : () -> ()
      %mul3A_32 = arith.constant 32768 : i32
      %mul3A_33 = arith.muli %arg1, %mul3A_32 : i32
      %add3A_34 = arith.constant 524800 : i32
      %add3A_35 = arith.addi %add3A_34, %mul3A_33 : i32
      %add3A_36 = arith.constant 0 : i32
      %add3A_37 = arith.addi %add3A_35, %add3A_36 : i32
      "tpu.region"() ({
        %run_scoped3A = tpu.sem_alloc : memref<!tpu.dma_semaphore, #tpu.memory_space<semaphore_mem>>
        %dma_start3A = tpu.memref_slice %arg11[%add3A_37] : memref<1049600xf32, #tpu.memory_space<vmem_shared>> -> memref<16384xf32, #tpu.memory_space<vmem_shared>>
        %dma_start3A_69 = tpu.memref_slice %arg11[%add3A_37] : memref<1049600xf32, #tpu.memory_space<vmem_shared>> -> memref<16384xf32, #tpu.memory_space<vmem_shared>>
        tpu.enqueue_dma source(%arg9 : memref<16384xf32, #tpu.memory_space<vmem>>) target(%dma_start3A_69 : memref<16384xf32, #tpu.memory_space<vmem_shared>>) target_semaphore(%run_scoped3A : memref<!tpu.dma_semaphore, #tpu.memory_space<semaphore_mem>>)
        %dma_wait3A = tpu.memref_slice %arg11[%add3A_37] : memref<1049600xf32, #tpu.memory_space<vmem_shared>> -> memref<16384xf32, #tpu.memory_space<vmem_shared>>
        %dma_wait3A_70 = tpu.memref_slice %arg11[%add3A_37] : memref<1049600xf32, #tpu.memory_space<vmem_shared>> -> memref<16384xf32, #tpu.memory_space<vmem_shared>>
        tpu.wait_dma2 semaphore(%run_scoped3A : memref<!tpu.dma_semaphore, #tpu.memory_space<semaphore_mem>>) src(%arg9 : memref<16384xf32, #tpu.memory_space<vmem>>) dst(%dma_wait3A_70 : memref<16384xf32, #tpu.memory_space<vmem_shared>>)
        tpu.yield
      }) : () -> ()
      %mul3A_38 = arith.constant 32768 : i32
      %mul3A_39 = arith.muli %arg1, %mul3A_38 : i32
      %add3A_40 = arith.constant 524800 : i32
      %add3A_41 = arith.addi %add3A_40, %mul3A_39 : i32
      %add3A_42 = arith.constant 16384 : i32
      %add3A_43 = arith.addi %add3A_41, %add3A_42 : i32
      "tpu.region"() ({
        %run_scoped3A = tpu.sem_alloc : memref<!tpu.dma_semaphore, #tpu.memory_space<semaphore_mem>>
        %dma_start3A = tpu.memref_slice %arg11[%add3A_43] : memref<1049600xf32, #tpu.memory_space<vmem_shared>> -> memref<16384xf32, #tpu.memory_space<vmem_shared>>
        %dma_start3A_69 = tpu.memref_slice %arg11[%add3A_43] : memref<1049600xf32, #tpu.memory_space<vmem_shared>> -> memref<16384xf32, #tpu.memory_space<vmem_shared>>
        tpu.enqueue_dma source(%arg9 : memref<16384xf32, #tpu.memory_space<vmem>>) target(%dma_start3A_69 : memref<16384xf32, #tpu.memory_space<vmem_shared>>) target_semaphore(%run_scoped3A : memref<!tpu.dma_semaphore, #tpu.memory_space<semaphore_mem>>)
        %dma_wait3A = tpu.memref_slice %arg11[%add3A_43] : memref<1049600xf32, #tpu.memory_space<vmem_shared>> -> memref<16384xf32, #tpu.memory_space<vmem_shared>>
        %dma_wait3A_70 = tpu.memref_slice %arg11[%add3A_43] : memref<1049600xf32, #tpu.memory_space<vmem_shared>> -> memref<16384xf32, #tpu.memory_space<vmem_shared>>
        tpu.wait_dma2 semaphore(%run_scoped3A : memref<!tpu.dma_semaphore, #tpu.memory_space<semaphore_mem>>) src(%arg9 : memref<16384xf32, #tpu.memory_space<vmem>>) dst(%dma_wait3A_70 : memref<16384xf32, #tpu.memory_space<vmem_shared>>)
        tpu.yield
      }) : () -> ()
      %barrier3A = arith.constant 0 : index
      tpu.barrier barrier_id(%barrier3A)
      %scan3A_44 = arith.constant 0 : i32
      %scan3A_45 = arith.constant 32 : i32
      %scan3A_46 = arith.addi %scan3A_44, %scan3A_45 : i32
      %scan3A_47 = arith.constant 1 : i32
      scf.for %scan3A_69 = %scan3A_44 to %scan3A_46 step %scan3A_47  : i32 {
        %and3A = arith.constant 1 : i32
        %and3A_70 = arith.andi %scan3A_69, %and3A : i32
        %mul3A_71 = arith.constant 524800 : i32
        %mul3A_72 = arith.muli %and3A_70, %mul3A_71 : i32
        %mul3A_73 = arith.constant 524288 : i32
        %mul3A_74 = arith.muli %scan3A_69, %mul3A_73 : i32
        %scan3A_75 = arith.constant 0 : i32
        %scan3A_76 = arith.constant 128 : i32
        %scan3A_77 = arith.addi %scan3A_75, %scan3A_76 : i32
        %scan3A_78 = arith.constant 1 : i32
        scf.for %scan3A_91 = %scan3A_75 to %scan3A_77 step %scan3A_78  : i32 {
          %mul3A_92 = arith.constant 64 : i32
          %mul3A_93 = arith.muli %scan3A_91, %mul3A_92 : i32
          %add3A_94 = arith.constant 0 : i32
          %add3A_95 = arith.addi %mul3A_93, %add3A_94 : i32
          %get3A = arith.index_cast %add3A_95 : i32 to index
          %get3A_96 = tpu.vector_load %arg6[%get3A] {strides = array<i32>} : memref<8192xi32, #tpu.memory_space<vmem>>, vector<16xi32>,
          %get3A_97 = vector.shape_cast %get3A_96 : vector<16xi32> to vector<16xi32>
          %eq3A_98 = vector.broadcast %scan3A_69 : i32 to vector<16xi32>
          %eq3A_99 = arith.cmpi eq, %get3A_97, %eq3A_98 : vector<16xi32>
          %jit3A = arith.constant 1.000000e+00 : f32
          %jit3A_100 = arith.constant 0.000000e+00 : f32
          %broadcast_in_dim3A = vector.broadcast %jit3A : f32 to vector<16xf32>
          %broadcast_in_dim3A_101 = vector.broadcast %jit3A_100 : f32 to vector<16xf32>
          %select_n3A = arith.select %eq3A_99, %broadcast_in_dim3A, %broadcast_in_dim3A_101 : vector<16xi1>, vector<16xf32>
          %swap3A = arith.index_cast %add3A_95 : i32 to index
          %swap3A_102 = tpu.vector_load %arg8[%swap3A] {strides = array<i32>} : memref<8192xf32, #tpu.memory_space<vmem>>, vector<16xf32>,
          %swap3A_103 = vector.shape_cast %swap3A_102 : vector<16xf32> to vector<16xf32>
          %swap3A_104 = vector.shape_cast %select_n3A : vector<16xf32> to vector<16xf32>
          tpu.vector_store %arg8[%swap3A], %swap3A_104 {strides = array<i32>} : memref<8192xf32, #tpu.memory_space<vmem>>, vector<16xf32>,
          %get3A_105 = arith.index_cast %add3A_95 : i32 to index
          %get3A_106 = tpu.vector_load %arg5[%get3A_105] {strides = array<i32>} : memref<8192xi32, #tpu.memory_space<vmem>>, vector<16xi32>,
          %get3A_107 = vector.shape_cast %get3A_106 : vector<16xi32> to vector<16xi32>
          %add3A_108 = vector.broadcast %mul3A_72 : i32 to vector<16xi32>
          %add3A_109 = arith.addi %get3A_107, %add3A_108 : vector<16xi32>
          %swap3A_110 = arith.index_cast %add3A_95 : i32 to index
          %swap3A_111 = tpu.vector_load %arg7[%swap3A_110] {strides = array<i32>} : memref<8192xi32, #tpu.memory_space<vmem>>, vector<16xi32>,
          %swap3A_112 = vector.shape_cast %swap3A_111 : vector<16xi32> to vector<16xi32>
          %swap3A_113 = vector.shape_cast %add3A_109 : vector<16xi32> to vector<16xi32>
          tpu.vector_store %arg7[%swap3A_110], %swap3A_113 {strides = array<i32>} : memref<8192xi32, #tpu.memory_space<vmem>>, vector<16xi32>,
          %mul3A_114 = arith.constant 64 : i32
          %mul3A_115 = arith.muli %scan3A_91, %mul3A_114 : i32
          %add3A_116 = arith.constant 16 : i32
          %add3A_117 = arith.addi %mul3A_115, %add3A_116 : i32
          %get3A_118 = arith.index_cast %add3A_117 : i32 to index
          %get3A_119 = tpu.vector_load %arg6[%get3A_118] {strides = array<i32>} : memref<8192xi32, #tpu.memory_space<vmem>>, vector<16xi32>,
          %get3A_120 = vector.shape_cast %get3A_119 : vector<16xi32> to vector<16xi32>
          %eq3A_121 = vector.broadcast %scan3A_69 : i32 to vector<16xi32>
          %eq3A_122 = arith.cmpi eq, %get3A_120, %eq3A_121 : vector<16xi32>
          %jit3A_123 = arith.constant 1.000000e+00 : f32
          %jit3A_124 = arith.constant 0.000000e+00 : f32
          %broadcast_in_dim3A_125 = vector.broadcast %jit3A_123 : f32 to vector<16xf32>
          %broadcast_in_dim3A_126 = vector.broadcast %jit3A_124 : f32 to vector<16xf32>
          %select_n3A_127 = arith.select %eq3A_122, %broadcast_in_dim3A_125, %broadcast_in_dim3A_126 : vector<16xi1>, vector<16xf32>
          %swap3A_128 = arith.index_cast %add3A_117 : i32 to index
          %swap3A_129 = tpu.vector_load %arg8[%swap3A_128] {strides = array<i32>} : memref<8192xf32, #tpu.memory_space<vmem>>, vector<16xf32>,
          %swap3A_130 = vector.shape_cast %swap3A_129 : vector<16xf32> to vector<16xf32>
          %swap3A_131 = vector.shape_cast %select_n3A_127 : vector<16xf32> to vector<16xf32>
          tpu.vector_store %arg8[%swap3A_128], %swap3A_131 {strides = array<i32>} : memref<8192xf32, #tpu.memory_space<vmem>>, vector<16xf32>,
          %get3A_132 = arith.index_cast %add3A_117 : i32 to index
          %get3A_133 = tpu.vector_load %arg5[%get3A_132] {strides = array<i32>} : memref<8192xi32, #tpu.memory_space<vmem>>, vector<16xi32>,
          %get3A_134 = vector.shape_cast %get3A_133 : vector<16xi32> to vector<16xi32>
          %add3A_135 = vector.broadcast %mul3A_72 : i32 to vector<16xi32>
          %add3A_136 = arith.addi %get3A_134, %add3A_135 : vector<16xi32>
          %swap3A_137 = arith.index_cast %add3A_117 : i32 to index
          %swap3A_138 = tpu.vector_load %arg7[%swap3A_137] {strides = array<i32>} : memref<8192xi32, #tpu.memory_space<vmem>>, vector<16xi32>,
          %swap3A_139 = vector.shape_cast %swap3A_138 : vector<16xi32> to vector<16xi32>
          %swap3A_140 = vector.shape_cast %add3A_136 : vector<16xi32> to vector<16xi32>
          tpu.vector_store %arg7[%swap3A_137], %swap3A_140 {strides = array<i32>} : memref<8192xi32, #tpu.memory_space<vmem>>, vector<16xi32>,
          %mul3A_141 = arith.constant 64 : i32
          %mul3A_142 = arith.muli %scan3A_91, %mul3A_141 : i32
          %add3A_143 = arith.constant 32 : i32
          %add3A_144 = arith.addi %mul3A_142, %add3A_143 : i32
          %get3A_145 = arith.index_cast %add3A_144 : i32 to index
          %get3A_146 = tpu.vector_load %arg6[%get3A_145] {strides = array<i32>} : memref<8192xi32, #tpu.memory_space<vmem>>, vector<16xi32>,
          %get3A_147 = vector.shape_cast %get3A_146 : vector<16xi32> to vector<16xi32>
          %eq3A_148 = vector.broadcast %scan3A_69 : i32 to vector<16xi32>
          %eq3A_149 = arith.cmpi eq, %get3A_147, %eq3A_148 : vector<16xi32>
          %jit3A_150 = arith.constant 1.000000e+00 : f32
          %jit3A_151 = arith.constant 0.000000e+00 : f32
          %broadcast_in_dim3A_152 = vector.broadcast %jit3A_150 : f32 to vector<16xf32>
          %broadcast_in_dim3A_153 = vector.broadcast %jit3A_151 : f32 to vector<16xf32>
          %select_n3A_154 = arith.select %eq3A_149, %broadcast_in_dim3A_152, %broadcast_in_dim3A_153 : vector<16xi1>, vector<16xf32>
          %swap3A_155 = arith.index_cast %add3A_144 : i32 to index
          %swap3A_156 = tpu.vector_load %arg8[%swap3A_155] {strides = array<i32>} : memref<8192xf32, #tpu.memory_space<vmem>>, vector<16xf32>,
          %swap3A_157 = vector.shape_cast %swap3A_156 : vector<16xf32> to vector<16xf32>
          %swap3A_158 = vector.shape_cast %select_n3A_154 : vector<16xf32> to vector<16xf32>
          tpu.vector_store %arg8[%swap3A_155], %swap3A_158 {strides = array<i32>} : memref<8192xf32, #tpu.memory_space<vmem>>, vector<16xf32>,
          %get3A_159 = arith.index_cast %add3A_144 : i32 to index
          %get3A_160 = tpu.vector_load %arg5[%get3A_159] {strides = array<i32>} : memref<8192xi32, #tpu.memory_space<vmem>>, vector<16xi32>,
          %get3A_161 = vector.shape_cast %get3A_160 : vector<16xi32> to vector<16xi32>
          %add3A_162 = vector.broadcast %mul3A_72 : i32 to vector<16xi32>
          %add3A_163 = arith.addi %get3A_161, %add3A_162 : vector<16xi32>
          %swap3A_164 = arith.index_cast %add3A_144 : i32 to index
          %swap3A_165 = tpu.vector_load %arg7[%swap3A_164] {strides = array<i32>} : memref<8192xi32, #tpu.memory_space<vmem>>, vector<16xi32>,
          %swap3A_166 = vector.shape_cast %swap3A_165 : vector<16xi32> to vector<16xi32>
          %swap3A_167 = vector.shape_cast %add3A_163 : vector<16xi32> to vector<16xi32>
          tpu.vector_store %arg7[%swap3A_164], %swap3A_167 {strides = array<i32>} : memref<8192xi32, #tpu.memory_space<vmem>>, vector<16xi32>,
          %mul3A_168 = arith.constant 64 : i32
          %mul3A_169 = arith.muli %scan3A_91, %mul3A_168 : i32
          %add3A_170 = arith.constant 48 : i32
          %add3A_171 = arith.addi %mul3A_169, %add3A_170 : i32
          %get3A_172 = arith.index_cast %add3A_171 : i32 to index
          %get3A_173 = tpu.vector_load %arg6[%get3A_172] {strides = array<i32>} : memref<8192xi32, #tpu.memory_space<vmem>>, vector<16xi32>,
          %get3A_174 = vector.shape_cast %get3A_173 : vector<16xi32> to vector<16xi32>
          %eq3A_175 = vector.broadcast %scan3A_69 : i32 to vector<16xi32>
          %eq3A_176 = arith.cmpi eq, %get3A_174, %eq3A_175 : vector<16xi32>
          %jit3A_177 = arith.constant 1.000000e+00 : f32
          %jit3A_178 = arith.constant 0.000000e+00 : f32
          %broadcast_in_dim3A_179 = vector.broadcast %jit3A_177 : f32 to vector<16xf32>
          %broadcast_in_dim3A_180 = vector.broadcast %jit3A_178 : f32 to vector<16xf32>
          %select_n3A_181 = arith.select %eq3A_176, %broadcast_in_dim3A_179, %broadcast_in_dim3A_180 : vector<16xi1>, vector<16xf32>
          %swap3A_182 = arith.index_cast %add3A_171 : i32 to index
          %swap3A_183 = tpu.vector_load %arg8[%swap3A_182] {strides = array<i32>} : memref<8192xf32, #tpu.memory_space<vmem>>, vector<16xf32>,
          %swap3A_184 = vector.shape_cast %swap3A_183 : vector<16xf32> to vector<16xf32>
          %swap3A_185 = vector.shape_cast %select_n3A_181 : vector<16xf32> to vector<16xf32>
          tpu.vector_store %arg8[%swap3A_182], %swap3A_185 {strides = array<i32>} : memref<8192xf32, #tpu.memory_space<vmem>>, vector<16xf32>,
          %get3A_186 = arith.index_cast %add3A_171 : i32 to index
          %get3A_187 = tpu.vector_load %arg5[%get3A_186] {strides = array<i32>} : memref<8192xi32, #tpu.memory_space<vmem>>, vector<16xi32>,
          %get3A_188 = vector.shape_cast %get3A_187 : vector<16xi32> to vector<16xi32>
          %add3A_189 = vector.broadcast %mul3A_72 : i32 to vector<16xi32>
          %add3A_190 = arith.addi %get3A_188, %add3A_189 : vector<16xi32>
          %swap3A_191 = arith.index_cast %add3A_171 : i32 to index
          %swap3A_192 = tpu.vector_load %arg7[%swap3A_191] {strides = array<i32>} : memref<8192xi32, #tpu.memory_space<vmem>>, vector<16xi32>,
          %swap3A_193 = vector.shape_cast %swap3A_192 : vector<16xi32> to vector<16xi32>
          %swap3A_194 = vector.shape_cast %add3A_190 : vector<16xi32> to vector<16xi32>
          tpu.vector_store %arg7[%swap3A_191], %swap3A_194 {strides = array<i32>} : memref<8192xi32, #tpu.memory_space<vmem>>, vector<16xi32>,
        }
        %scan3A_79 = arith.constant 128 : i32
        "tpu.region"() ({
          %run_scoped3A = tpu.sem_alloc : memref<!tpu.dma_semaphore, #tpu.memory_space<semaphore_mem>>
          %dma_start3A = arith.constant 0 : i32
          %dma_start3A_91 = tpu.memref_slice %arg11[%dma_start3A] : memref<1049600xf32, #tpu.memory_space<vmem_shared>> -> memref<1049600xf32, #tpu.memory_space<vmem_shared>>
          tpu.enqueue_indirect_dma source(%arg8 : memref<8192xf32, #tpu.memory_space<vmem>>) target(%dma_start3A_91 : memref<1049600xf32, #tpu.memory_space<vmem_shared>>) offsets(%arg7 : memref<8192xi32, #tpu.memory_space<vmem>>) semaphore(%run_scoped3A : memref<!tpu.dma_semaphore, #tpu.memory_space<semaphore_mem>>) {add = true}
          %dma_wait3A = arith.constant 0 : i32
          %dma_wait3A_92 = tpu.memref_slice %arg11[%dma_wait3A] : memref<1049600xf32, #tpu.memory_space<vmem_shared>> -> memref<1049600xf32, #tpu.memory_space<vmem_shared>>
          tpu.wait_indirect_dma semaphore(%run_scoped3A : memref<!tpu.dma_semaphore, #tpu.memory_space<semaphore_mem>>) src(%arg8 : memref<8192xf32, #tpu.memory_space<vmem>>) dst(%dma_wait3A_92 : memref<1049600xf32, #tpu.memory_space<vmem_shared>>)
          tpu.yield
        }) : () -> ()
        %add3A_80 = arith.constant 524304 : i32
        %add3A_81 = arith.addi %mul3A_72, %add3A_80 : i32
        %mul3A_82 = arith.constant 16 : i32
        %mul3A_83 = arith.muli %arg1, %mul3A_82 : i32
        %add3A_84 = arith.addi %add3A_81, %mul3A_83 : i32
        "tpu.region"() ({
          %run_scoped3A = tpu.sem_alloc : memref<!tpu.dma_semaphore, #tpu.memory_space<semaphore_mem>>
          %dma_start3A = tpu.memref_slice %arg11[%add3A_84] : memref<1049600xf32, #tpu.memory_space<vmem_shared>> -> memref<16xf32, #tpu.memory_space<vmem_shared>>
          %dma_start3A_91 = tpu.memref_slice %arg11[%add3A_84] : memref<1049600xf32, #tpu.memory_space<vmem_shared>> -> memref<16xf32, #tpu.memory_space<vmem_shared>>
          tpu.enqueue_dma source(%arg10 : memref<16xf32, #tpu.memory_space<vmem>>) target(%dma_start3A_91 : memref<16xf32, #tpu.memory_space<vmem_shared>>) target_semaphore(%run_scoped3A : memref<!tpu.dma_semaphore, #tpu.memory_space<semaphore_mem>>)
          %dma_wait3A = tpu.memref_slice %arg11[%add3A_84] : memref<1049600xf32, #tpu.memory_space<vmem_shared>> -> memref<16xf32, #tpu.memory_space<vmem_shared>>
          %dma_wait3A_92 = tpu.memref_slice %arg11[%add3A_84] : memref<1049600xf32, #tpu.memory_space<vmem_shared>> -> memref<16xf32, #tpu.memory_space<vmem_shared>>
          tpu.wait_dma2 semaphore(%run_scoped3A : memref<!tpu.dma_semaphore, #tpu.memory_space<semaphore_mem>>) src(%arg10 : memref<16xf32, #tpu.memory_space<vmem>>) dst(%dma_wait3A_92 : memref<16xf32, #tpu.memory_space<vmem_shared>>)
          tpu.yield
        }) : () -> ()
        "tpu.region"() ({
          %run_scoped3A = tpu.sem_alloc : memref<!tpu.dma_semaphore, #tpu.memory_space<semaphore_mem>>
          %dma_start3A = tpu.memref_slice %arg11[%add3A_84] : memref<1049600xf32, #tpu.memory_space<vmem_shared>> -> memref<16xf32, #tpu.memory_space<vmem_shared>>
          %dma_start3A_91 = tpu.memref_slice %arg11[%add3A_84] : memref<1049600xf32, #tpu.memory_space<vmem_shared>> -> memref<16xf32, #tpu.memory_space<vmem_shared>>
          tpu.enqueue_dma source(%dma_start3A_91 : memref<16xf32, #tpu.memory_space<vmem_shared>>) target(%arg10 : memref<16xf32, #tpu.memory_space<vmem>>) target_semaphore(%run_scoped3A : memref<!tpu.dma_semaphore, #tpu.memory_space<semaphore_mem>>)
          %dma_wait3A = tpu.memref_slice %arg11[%add3A_84] : memref<1049600xf32, #tpu.memory_space<vmem_shared>> -> memref<16xf32, #tpu.memory_space<vmem_shared>>
          %dma_wait3A_92 = tpu.memref_slice %arg11[%add3A_84] : memref<1049600xf32, #tpu.memory_space<vmem_shared>> -> memref<16xf32, #tpu.memory_space<vmem_shared>>
          tpu.wait_dma2 semaphore(%run_scoped3A : memref<!tpu.dma_semaphore, #tpu.memory_space<semaphore_mem>>) src(%dma_wait3A_92 : memref<16xf32, #tpu.memory_space<vmem_shared>>) dst(%arg10 : memref<16xf32, #tpu.memory_space<vmem>>)
          tpu.yield
        }) : () -> ()
        %barrier3A_85 = arith.constant 0 : index
        tpu.barrier barrier_id(%barrier3A_85)
        %gt3A = arith.constant 0 : i32
        %gt3A_86 = arith.cmpi sgt, %scan3A_69, %gt3A : i32
        %convert_element_type3A_87 = arith.extui %gt3A_86 : i1 to i32
        %cond3A_88 = arith.constant 0 : i32
        %cond3A_89 = arith.cmpi ne, %convert_element_type3A_87, %cond3A_88 : i32
        scf.if %cond3A_89 {
          %sub3A = arith.constant 1 : i32
          %sub3A_91 = arith.subi %scan3A_69, %sub3A : i32
          %and3A_92 = arith.constant 1 : i32
          %and3A_93 = arith.andi %scan3A_69, %and3A_92 : i32
          %sub3A_94 = arith.constant 1 : i32
          %sub3A_95 = arith.subi %sub3A_94, %and3A_93 : i32
          %mul3A_96 = arith.constant 524800 : i32
          %mul3A_97 = arith.muli %sub3A_95, %mul3A_96 : i32
          %mul3A_98 = arith.constant 32768 : i32
          %mul3A_99 = arith.muli %arg1, %mul3A_98 : i32
          %add3A_100 = arith.addi %mul3A_97, %mul3A_99 : i32
          %mul3A_101 = arith.constant 524288 : i32
          %mul3A_102 = arith.muli %sub3A_91, %mul3A_101 : i32
          %mul3A_103 = arith.constant 32768 : i32
          %mul3A_104 = arith.muli %arg1, %mul3A_103 : i32
          %add3A_105 = arith.addi %mul3A_102, %mul3A_104 : i32
          "tpu.region"() ({
            %run_scoped3A = tpu.sem_alloc : memref<!tpu.dma_semaphore, #tpu.memory_space<semaphore_mem>>
            %dma_start3A = tpu.memref_slice %arg4[%add3A_105] : memref<16777216xf32, #tpu.memory_space<hbm>> -> memref<32768xf32, #tpu.memory_space<hbm>>
            %dma_start3A_116 = tpu.memref_slice %arg11[%add3A_100] : memref<1049600xf32, #tpu.memory_space<vmem_shared>> -> memref<32768xf32, #tpu.memory_space<vmem_shared>>
            tpu.enqueue_dma source(%dma_start3A_116 : memref<32768xf32, #tpu.memory_space<vmem_shared>>) target(%dma_start3A : memref<32768xf32, #tpu.memory_space<hbm>>) target_semaphore(%run_scoped3A : memref<!tpu.dma_semaphore, #tpu.memory_space<semaphore_mem>>)
            %dma_wait3A = tpu.memref_slice %arg4[%add3A_105] : memref<16777216xf32, #tpu.memory_space<hbm>> -> memref<32768xf32, #tpu.memory_space<hbm>>
            %dma_wait3A_117 = tpu.memref_slice %arg11[%add3A_100] : memref<1049600xf32, #tpu.memory_space<vmem_shared>> -> memref<32768xf32, #tpu.memory_space<vmem_shared>>
            tpu.wait_dma2 semaphore(%run_scoped3A : memref<!tpu.dma_semaphore, #tpu.memory_space<semaphore_mem>>) src(%dma_wait3A_117 : memref<32768xf32, #tpu.memory_space<vmem_shared>>) dst(%dma_wait3A : memref<32768xf32, #tpu.memory_space<hbm>>)
            tpu.yield
          }) : () -> ()
          %mul3A_106 = arith.constant 32768 : i32
          %mul3A_107 = arith.muli %arg1, %mul3A_106 : i32
          %add3A_108 = arith.addi %mul3A_97, %mul3A_107 : i32
          %add3A_109 = arith.constant 0 : i32
          %add3A_110 = arith.addi %add3A_108, %add3A_109 : i32
          "tpu.region"() ({
            %run_scoped3A = tpu.sem_alloc : memref<!tpu.dma_semaphore, #tpu.memory_space<semaphore_mem>>
            %dma_start3A = tpu.memref_slice %arg11[%add3A_110] : memref<1049600xf32, #tpu.memory_space<vmem_shared>> -> memref<16384xf32, #tpu.memory_space<vmem_shared>>
            %dma_start3A_116 = tpu.memref_slice %arg11[%add3A_110] : memref<1049600xf32, #tpu.memory_space<vmem_shared>> -> memref<16384xf32, #tpu.memory_space<vmem_shared>>
            tpu.enqueue_dma source(%arg9 : memref<16384xf32, #tpu.memory_space<vmem>>) target(%dma_start3A_116 : memref<16384xf32, #tpu.memory_space<vmem_shared>>) target_semaphore(%run_scoped3A : memref<!tpu.dma_semaphore, #tpu.memory_space<semaphore_mem>>)
            %dma_wait3A = tpu.memref_slice %arg11[%add3A_110] : memref<1049600xf32, #tpu.memory_space<vmem_shared>> -> memref<16384xf32, #tpu.memory_space<vmem_shared>>
            %dma_wait3A_117 = tpu.memref_slice %arg11[%add3A_110] : memref<1049600xf32, #tpu.memory_space<vmem_shared>> -> memref<16384xf32, #tpu.memory_space<vmem_shared>>
            tpu.wait_dma2 semaphore(%run_scoped3A : memref<!tpu.dma_semaphore, #tpu.memory_space<semaphore_mem>>) src(%arg9 : memref<16384xf32, #tpu.memory_space<vmem>>) dst(%dma_wait3A_117 : memref<16384xf32, #tpu.memory_space<vmem_shared>>)
            tpu.yield
          }) : () -> ()
          %mul3A_111 = arith.constant 32768 : i32
          %mul3A_112 = arith.muli %arg1, %mul3A_111 : i32
          %add3A_113 = arith.addi %mul3A_97, %mul3A_112 : i32
          %add3A_114 = arith.constant 16384 : i32
          %add3A_115 = arith.addi %add3A_113, %add3A_114 : i32
          "tpu.region"() ({
            %run_scoped3A = tpu.sem_alloc : memref<!tpu.dma_semaphore, #tpu.memory_space<semaphore_mem>>
            %dma_start3A = tpu.memref_slice %arg11[%add3A_115] : memref<1049600xf32, #tpu.memory_space<vmem_shared>> -> memref<16384xf32, #tpu.memory_space<vmem_shared>>
            %dma_start3A_116 = tpu.memref_slice %arg11[%add3A_115] : memref<1049600xf32, #tpu.memory_space<vmem_shared>> -> memref<16384xf32, #tpu.memory_space<vmem_shared>>
            tpu.enqueue_dma source(%arg9 : memref<16384xf32, #tpu.memory_space<vmem>>) target(%dma_start3A_116 : memref<16384xf32, #tpu.memory_space<vmem_shared>>) target_semaphore(%run_scoped3A : memref<!tpu.dma_semaphore, #tpu.memory_space<semaphore_mem>>)
            %dma_wait3A = tpu.memref_slice %arg11[%add3A_115] : memref<1049600xf32, #tpu.memory_space<vmem_shared>> -> memref<16384xf32, #tpu.memory_space<vmem_shared>>
            %dma_wait3A_117 = tpu.memref_slice %arg11[%add3A_115] : memref<1049600xf32, #tpu.memory_space<vmem_shared>> -> memref<16384xf32, #tpu.memory_space<vmem_shared>>
            tpu.wait_dma2 semaphore(%run_scoped3A : memref<!tpu.dma_semaphore, #tpu.memory_space<semaphore_mem>>) src(%arg9 : memref<16384xf32, #tpu.memory_space<vmem>>) dst(%dma_wait3A_117 : memref<16384xf32, #tpu.memory_space<vmem_shared>>)
            tpu.yield
          }) : () -> ()
        } else {
        }
        %barrier3A_90 = arith.constant 0 : index
        tpu.barrier barrier_id(%barrier3A_90)
      }
      %scan3A_48 = arith.constant 32 : i32
      %delay3A = arith.constant 16384 : i32
      tpu.delay %delay3A
      %mul3A_49 = arith.constant 32768 : i32
      %mul3A_50 = arith.muli %arg1, %mul3A_49 : i32
      %add3A_51 = arith.constant 524800 : i32
      %add3A_52 = arith.addi %add3A_51, %mul3A_50 : i32
      %mul3A_53 = arith.constant 32768 : i32
      %mul3A_54 = arith.muli %arg1, %mul3A_53 : i32
      %add3A_55 = arith.constant 16252928 : i32
      %add3A_56 = arith.addi %add3A_55, %mul3A_54 : i32
      "tpu.region"() ({
        %run_scoped3A = tpu.sem_alloc : memref<!tpu.dma_semaphore, #tpu.memory_space<semaphore_mem>>
        %dma_start3A = tpu.memref_slice %arg4[%add3A_56] : memref<16777216xf32, #tpu.memory_space<hbm>> -> memref<32768xf32, #tpu.memory_space<hbm>>
        %dma_start3A_69 = tpu.memref_slice %arg11[%add3A_52] : memref<1049600xf32, #tpu.memory_space<vmem_shared>> -> memref<32768xf32, #tpu.memory_space<vmem_shared>>
        tpu.enqueue_dma source(%dma_start3A_69 : memref<32768xf32, #tpu.memory_space<vmem_shared>>) target(%dma_start3A : memref<32768xf32, #tpu.memory_space<hbm>>) target_semaphore(%run_scoped3A : memref<!tpu.dma_semaphore, #tpu.memory_space<semaphore_mem>>)
        %dma_wait3A = tpu.memref_slice %arg4[%add3A_56] : memref<16777216xf32, #tpu.memory_space<hbm>> -> memref<32768xf32, #tpu.memory_space<hbm>>
        %dma_wait3A_70 = tpu.memref_slice %arg11[%add3A_52] : memref<1049600xf32, #tpu.memory_space<vmem_shared>> -> memref<32768xf32, #tpu.memory_space<vmem_shared>>
        tpu.wait_dma2 semaphore(%run_scoped3A : memref<!tpu.dma_semaphore, #tpu.memory_space<semaphore_mem>>) src(%dma_wait3A_70 : memref<32768xf32, #tpu.memory_space<vmem_shared>>) dst(%dma_wait3A : memref<32768xf32, #tpu.memory_space<hbm>>)
        tpu.yield
      }) : () -> ()
      %mul3A_57 = arith.constant 32768 : i32
      %mul3A_58 = arith.muli %arg1, %mul3A_57 : i32
      %add3A_59 = arith.constant 524800 : i32
      %add3A_60 = arith.addi %add3A_59, %mul3A_58 : i32
      %add3A_61 = arith.constant 0 : i32
      %add3A_62 = arith.addi %add3A_60, %add3A_61 : i32
      "tpu.region"() ({
        %run_scoped3A = tpu.sem_alloc : memref<!tpu.dma_semaphore, #tpu.memory_space<semaphore_mem>>
        %dma_start3A = tpu.memref_slice %arg11[%add3A_62] : memref<1049600xf32, #tpu.memory_space<vmem_shared>> -> memref<16384xf32, #tpu.memory_space<vmem_shared>>
        %dma_start3A_69 = tpu.memref_slice %arg11[%add3A_62] : memref<1049600xf32, #tpu.memory_space<vmem_shared>> -> memref<16384xf32, #tpu.memory_space<vmem_shared>>
        tpu.enqueue_dma source(%arg9 : memref<16384xf32, #tpu.memory_space<vmem>>) target(%dma_start3A_69 : memref<16384xf32, #tpu.memory_space<vmem_shared>>) target_semaphore(%run_scoped3A : memref<!tpu.dma_semaphore, #tpu.memory_space<semaphore_mem>>)
        %dma_wait3A = tpu.memref_slice %arg11[%add3A_62] : memref<1049600xf32, #tpu.memory_space<vmem_shared>> -> memref<16384xf32, #tpu.memory_space<vmem_shared>>
        %dma_wait3A_70 = tpu.memref_slice %arg11[%add3A_62] : memref<1049600xf32, #tpu.memory_space<vmem_shared>> -> memref<16384xf32, #tpu.memory_space<vmem_shared>>
        tpu.wait_dma2 semaphore(%run_scoped3A : memref<!tpu.dma_semaphore, #tpu.memory_space<semaphore_mem>>) src(%arg9 : memref<16384xf32, #tpu.memory_space<vmem>>) dst(%dma_wait3A_70 : memref<16384xf32, #tpu.memory_space<vmem_shared>>)
        tpu.yield
      }) : () -> ()
      %mul3A_63 = arith.constant 32768 : i32
      %mul3A_64 = arith.muli %arg1, %mul3A_63 : i32
      %add3A_65 = arith.constant 524800 : i32
      %add3A_66 = arith.addi %add3A_65, %mul3A_64 : i32
      %add3A_67 = arith.constant 16384 : i32
      %add3A_68 = arith.addi %add3A_66, %add3A_67 : i32
      "tpu.region"() ({
        %run_scoped3A = tpu.sem_alloc : memref<!tpu.dma_semaphore, #tpu.memory_space<semaphore_mem>>
        %dma_start3A = tpu.memref_slice %arg11[%add3A_68] : memref<1049600xf32, #tpu.memory_space<vmem_shared>> -> memref<16384xf32, #tpu.memory_space<vmem_shared>>
        %dma_start3A_69 = tpu.memref_slice %arg11[%add3A_68] : memref<1049600xf32, #tpu.memory_space<vmem_shared>> -> memref<16384xf32, #tpu.memory_space<vmem_shared>>
        tpu.enqueue_dma source(%arg9 : memref<16384xf32, #tpu.memory_space<vmem>>) target(%dma_start3A_69 : memref<16384xf32, #tpu.memory_space<vmem_shared>>) target_semaphore(%run_scoped3A : memref<!tpu.dma_semaphore, #tpu.memory_space<semaphore_mem>>)
        %dma_wait3A = tpu.memref_slice %arg11[%add3A_68] : memref<1049600xf32, #tpu.memory_space<vmem_shared>> -> memref<16384xf32, #tpu.memory_space<vmem_shared>>
        %dma_wait3A_70 = tpu.memref_slice %arg11[%add3A_68] : memref<1049600xf32, #tpu.memory_space<vmem_shared>> -> memref<16384xf32, #tpu.memory_space<vmem_shared>>
        tpu.wait_dma2 semaphore(%run_scoped3A : memref<!tpu.dma_semaphore, #tpu.memory_space<semaphore_mem>>) src(%arg9 : memref<16384xf32, #tpu.memory_space<vmem>>) dst(%dma_wait3A_70 : memref<16384xf32, #tpu.memory_space<vmem_shared>>)
        tpu.yield
      }) : () -> ()
    } else {
    }
    return
  }
}

module attributes {stable_mosaic.version = 14 : i64} {
  func.func @_fc_body(%arg0: i32, %arg1: memref<512x512xf32, #tpu.memory_space<vmem>>, %arg2: memref<256x512xf32, #tpu.memory_space<vmem>>, %arg3: memref<1x256xf32, #tpu.memory_space<vmem>>, %arg4: memref<512x256xf32, #tpu.memory_space<vmem>>, %arg5: memref<512x256xf32, #tpu.memory_space<vmem>>) attributes {dimension_semantics = [#tpu.dimension_semantics<arbitrary>], iteration_bounds = array<i64: 8>, scalar_prefetch = 0 : i64, scratch_operands = 0 : i64, tpu.core_type = #tpu.core_type<tc>, window_params = [{transform_indices = @transform_0, window_bounds = array<i64: 512, 512>}, {pipeline_mode = #tpu.pipeline_mode<synchronous>, transform_indices = @transform_1, window_bounds = array<i64: 256, 512>}, {pipeline_mode = #tpu.pipeline_mode<synchronous>, transform_indices = @transform_2, window_bounds = array<i64: 1, 256>}, {transform_indices = @transform_3, window_bounds = array<i64: 512, 256>}, {transform_indices = @transform_4, window_bounds = array<i64: 512, 256>}]} {
    %get3A = arith.constant 0 : index
    %get3A_0 = arith.constant 0 : index
    %get3A_1 = vector.load %arg1[%get3A, %get3A_0] : memref<512x512xf32, #tpu.memory_space<vmem>>, vector<512x512xf32>
    %get3A_2 = arith.constant 0 : index
    %get3A_3 = arith.constant 0 : index
    %get3A_4 = vector.load %arg2[%get3A_2, %get3A_3] : memref<256x512xf32, #tpu.memory_space<vmem>>, vector<256x512xf32>
    %dot_general3A = arith.constant dense<0.000000e+00> : vector<512x256xf32>
    %dot_general3A_5 = tpu.matmul %get3A_1, %get3A_4, %dot_general3A {dimension_numbers = #tpu.dot_dimension_numbers<[1], [1], [0], [0], [0, 0, 1, 0], [], []>, transpose_lhs_hint = false} : vector<512x512xf32>, vector<256x512xf32>, vector<512x256xf32> -> vector<512x256xf32>
    %get3A_6 = arith.constant 0 : index
    %get3A_7 = arith.constant 0 : index
    %get3A_8 = vector.load %arg3[%get3A_6, %get3A_7] : memref<1x256xf32, #tpu.memory_space<vmem>>, vector<1x256xf32>
    %add3A = vector.broadcast %get3A_8 : vector<1x256xf32> to vector<512x256xf32>
    %add3A_9 = arith.addf %dot_general3A_5, %add3A : vector<512x256xf32>
    %swap3A = arith.constant 0 : index
    %swap3A_10 = arith.constant 0 : index
    %swap3A_11 = vector.load %arg4[%swap3A, %swap3A_10] : memref<512x256xf32, #tpu.memory_space<vmem>>, vector<512x256xf32>
    tpu.vector_store %arg4[%swap3A, %swap3A_10], %add3A_9 {strides = array<i32>} : memref<512x256xf32, #tpu.memory_space<vmem>>, vector<512x256xf32>,
    %mul3A = arith.mulf %add3A_9, %add3A_9 : vector<512x256xf32>
    %reduce_sum3A = arith.constant dense<0.000000e+00> : vector<512xf32>
    %reduce_sum3A_12 = vector.multi_reduction <add>, %mul3A, %reduce_sum3A [1] : vector<512x256xf32> to vector<512xf32>
    %broadcast_in_dim3A = vector.shape_cast %reduce_sum3A_12 : vector<512xf32> to vector<512x1xf32>
    %sqrt3A = math.sqrt %broadcast_in_dim3A : vector<512x1xf32>
    %max3A = arith.constant 9.99999996E-13 : f32
    %max3A_13 = vector.broadcast %max3A : f32 to vector<512x1xf32>
    %max3A_14 = arith.maximumf %sqrt3A, %max3A_13 : vector<512x1xf32>
    %div3A = vector.broadcast %max3A_14 : vector<512x1xf32> to vector<512x256xf32>
    %div3A_15 = arith.divf %add3A_9, %div3A : vector<512x256xf32>
    %swap3A_16 = arith.constant 0 : index
    %swap3A_17 = arith.constant 0 : index
    %swap3A_18 = vector.load %arg5[%swap3A_16, %swap3A_17] : memref<512x256xf32, #tpu.memory_space<vmem>>, vector<512x256xf32>
    tpu.vector_store %arg5[%swap3A_16, %swap3A_17], %div3A_15 {strides = array<i32>} : memref<512x256xf32, #tpu.memory_space<vmem>>, vector<512x256xf32>,
    return
  }
  func.func @transform_0(%arg0: i32) -> (i32, i32) {
    %c0_i32 = arith.constant 0 : i32
    %c0_i32_0 = arith.constant 0 : i32
    return %arg0, %c0_i32 : i32, i32
  }
  func.func @transform_1(%arg0: i32) -> (i32, i32) {
    %c0_i32 = arith.constant 0 : i32
    %c0_i32_0 = arith.constant 0 : i32
    %c0_i32_1 = arith.constant 0 : i32
    return %c0_i32, %c0_i32_0 : i32, i32
  }
  func.func @transform_2(%arg0: i32) -> (i32, i32) {
    %c0_i32 = arith.constant 0 : i32
    %c0_i32_0 = arith.constant 0 : i32
    %c0_i32_1 = arith.constant 0 : i32
    return %c0_i32, %c0_i32_0 : i32, i32
  }
  func.func @transform_3(%arg0: i32) -> (i32, i32) {
    %c0_i32 = arith.constant 0 : i32
    %c0_i32_0 = arith.constant 0 : i32
    return %arg0, %c0_i32 : i32, i32
  }
  func.func @transform_4(%arg0: i32) -> (i32, i32) {
    %c0_i32 = arith.constant 0 : i32
    %c0_i32_0 = arith.constant 0 : i32
    return %arg0, %c0_i32 : i32, i32
  }
}

module attributes {stable_mosaic.version = 14 : i64} {
  func.func @_spmv_norm_body(%arg0: i32, %arg1: memref<256x4096xf32, #tpu.memory_space<vmem>>, %arg2: memref<4096x256xf32, #tpu.memory_space<vmem>>, %arg3: memref<256x256xf32, #tpu.memory_space<vmem>>, %arg4: memref<256x256xf32, #tpu.memory_space<vmem>>) attributes {dimension_semantics = [#tpu.dimension_semantics<arbitrary>], iteration_bounds = array<i64: 16>, scalar_prefetch = 0 : i64, scratch_operands = 0 : i64, tpu.core_type = #tpu.core_type<tc>, window_params = [{transform_indices = @transform_0, window_bounds = array<i64: 256, 4096>}, {pipeline_mode = #tpu.pipeline_mode<synchronous>, transform_indices = @transform_1, window_bounds = array<i64: 4096, 256>}, {transform_indices = @transform_2, window_bounds = array<i64: 256, 256>}, {transform_indices = @transform_3, window_bounds = array<i64: 256, 256>}]} {
    %get3A = arith.constant 0 : index
    %get3A_0 = arith.constant 0 : index
    %get3A_1 = vector.load %arg1[%get3A, %get3A_0] : memref<256x4096xf32, #tpu.memory_space<vmem>>, vector<256x4096xf32>
    %get3A_2 = arith.constant 0 : index
    %get3A_3 = arith.constant 0 : index
    %get3A_4 = vector.load %arg2[%get3A_2, %get3A_3] : memref<4096x256xf32, #tpu.memory_space<vmem>>, vector<4096x256xf32>
    %dot_general3A = arith.constant dense<0.000000e+00> : vector<256x256xf32>
    %dot_general3A_5 = tpu.matmul %get3A_1, %get3A_4, %dot_general3A {dimension_numbers = #tpu.dot_dimension_numbers<[1], [0], [0], [1], [0, 0, 1, 1], [], []>, transpose_lhs_hint = false} : vector<256x4096xf32>, vector<4096x256xf32>, vector<256x256xf32> -> vector<256x256xf32>
    %swap3A = arith.constant 0 : index
    %swap3A_6 = arith.constant 0 : index
    %swap3A_7 = vector.load %arg3[%swap3A, %swap3A_6] : memref<256x256xf32, #tpu.memory_space<vmem>>, vector<256x256xf32>
    tpu.vector_store %arg3[%swap3A, %swap3A_6], %dot_general3A_5 {strides = array<i32>} : memref<256x256xf32, #tpu.memory_space<vmem>>, vector<256x256xf32>,
    %mul3A = arith.mulf %dot_general3A_5, %dot_general3A_5 : vector<256x256xf32>
    %reduce_sum3A = arith.constant dense<0.000000e+00> : vector<256xf32>
    %reduce_sum3A_8 = vector.multi_reduction <add>, %mul3A, %reduce_sum3A [1] : vector<256x256xf32> to vector<256xf32>
    %broadcast_in_dim3A = vector.shape_cast %reduce_sum3A_8 : vector<256xf32> to vector<256x1xf32>
    %sqrt3A = math.sqrt %broadcast_in_dim3A : vector<256x1xf32>
    %max3A = arith.constant 9.99999996E-13 : f32
    %max3A_9 = vector.broadcast %max3A : f32 to vector<256x1xf32>
    %max3A_10 = arith.maximumf %sqrt3A, %max3A_9 : vector<256x1xf32>
    %div3A = vector.broadcast %max3A_10 : vector<256x1xf32> to vector<256x256xf32>
    %div3A_11 = arith.divf %dot_general3A_5, %div3A : vector<256x256xf32>
    %swap3A_12 = arith.constant 0 : index
    %swap3A_13 = arith.constant 0 : index
    %swap3A_14 = vector.load %arg4[%swap3A_12, %swap3A_13] : memref<256x256xf32, #tpu.memory_space<vmem>>, vector<256x256xf32>
    tpu.vector_store %arg4[%swap3A_12, %swap3A_13], %div3A_11 {strides = array<i32>} : memref<256x256xf32, #tpu.memory_space<vmem>>, vector<256x256xf32>,
    return
  }
  func.func @transform_0(%arg0: i32) -> (i32, i32) {
    %c0_i32 = arith.constant 0 : i32
    %c0_i32_0 = arith.constant 0 : i32
    return %arg0, %c0_i32 : i32, i32
  }
  func.func @transform_1(%arg0: i32) -> (i32, i32) {
    %c0_i32 = arith.constant 0 : i32
    %c0_i32_0 = arith.constant 0 : i32
    %c0_i32_1 = arith.constant 0 : i32
    return %c0_i32, %c0_i32_0 : i32, i32
  }
  func.func @transform_2(%arg0: i32) -> (i32, i32) {
    %c0_i32 = arith.constant 0 : i32
    %c0_i32_0 = arith.constant 0 : i32
    return %arg0, %c0_i32 : i32, i32
  }
  func.func @transform_3(%arg0: i32) -> (i32, i32) {
    %c0_i32 = arith.constant 0 : i32
    %c0_i32_0 = arith.constant 0 : i32
    return %arg0, %c0_i32 : i32, i32
  }
}

module attributes {stable_mosaic.version = 14 : i64} {
  func.func @_spmv_body(%arg0: i32, %arg1: memref<256x4096xf32, #tpu.memory_space<vmem>>, %arg2: memref<4096x256xf32, #tpu.memory_space<vmem>>, %arg3: memref<256x256xf32, #tpu.memory_space<vmem>>) attributes {dimension_semantics = [#tpu.dimension_semantics<arbitrary>], iteration_bounds = array<i64: 16>, scalar_prefetch = 0 : i64, scratch_operands = 0 : i64, tpu.core_type = #tpu.core_type<tc>, window_params = [{transform_indices = @transform_0, window_bounds = array<i64: 256, 4096>}, {pipeline_mode = #tpu.pipeline_mode<synchronous>, transform_indices = @transform_1, window_bounds = array<i64: 4096, 256>}, {transform_indices = @transform_2, window_bounds = array<i64: 256, 256>}]} {
    %get3A = arith.constant 0 : index
    %get3A_0 = arith.constant 0 : index
    %get3A_1 = vector.load %arg1[%get3A, %get3A_0] : memref<256x4096xf32, #tpu.memory_space<vmem>>, vector<256x4096xf32>
    %get3A_2 = arith.constant 0 : index
    %get3A_3 = arith.constant 0 : index
    %get3A_4 = vector.load %arg2[%get3A_2, %get3A_3] : memref<4096x256xf32, #tpu.memory_space<vmem>>, vector<4096x256xf32>
    %dot_general3A = arith.constant dense<0.000000e+00> : vector<256x256xf32>
    %dot_general3A_5 = tpu.matmul %get3A_1, %get3A_4, %dot_general3A {dimension_numbers = #tpu.dot_dimension_numbers<[1], [0], [0], [1], [0, 0, 1, 1], [], []>, transpose_lhs_hint = false} : vector<256x4096xf32>, vector<4096x256xf32>, vector<256x256xf32> -> vector<256x256xf32>
    %swap3A = arith.constant 0 : index
    %swap3A_6 = arith.constant 0 : index
    %swap3A_7 = vector.load %arg3[%swap3A, %swap3A_6] : memref<256x256xf32, #tpu.memory_space<vmem>>, vector<256x256xf32>
    tpu.vector_store %arg3[%swap3A, %swap3A_6], %dot_general3A_5 {strides = array<i32>} : memref<256x256xf32, #tpu.memory_space<vmem>>, vector<256x256xf32>,
    return
  }
  func.func @transform_0(%arg0: i32) -> (i32, i32) {
    %c0_i32 = arith.constant 0 : i32
    %c0_i32_0 = arith.constant 0 : i32
    return %arg0, %c0_i32 : i32, i32
  }
  func.func @transform_1(%arg0: i32) -> (i32, i32) {
    %c0_i32 = arith.constant 0 : i32
    %c0_i32_0 = arith.constant 0 : i32
    %c0_i32_1 = arith.constant 0 : i32
    return %c0_i32, %c0_i32_0 : i32, i32
  }
  func.func @transform_2(%arg0: i32) -> (i32, i32) {
    %c0_i32 = arith.constant 0 : i32
    %c0_i32_0 = arith.constant 0 : i32
    return %arg0, %c0_i32 : i32, i32
  }
}

module attributes {stable_mosaic.version = 14 : i64} {
  func.func @_spmv_norm_body(%arg0: i32, %arg1: memref<256x4096xf32, #tpu.memory_space<vmem>>, %arg2: memref<4096x256xf32, #tpu.memory_space<vmem>>, %arg3: memref<256x256xf32, #tpu.memory_space<vmem>>, %arg4: memref<256x256xf32, #tpu.memory_space<vmem>>) attributes {dimension_semantics = [#tpu.dimension_semantics<arbitrary>], iteration_bounds = array<i64: 16>, scalar_prefetch = 0 : i64, scratch_operands = 0 : i64, tpu.core_type = #tpu.core_type<tc>, window_params = [{transform_indices = @transform_0, window_bounds = array<i64: 256, 4096>}, {pipeline_mode = #tpu.pipeline_mode<synchronous>, transform_indices = @transform_1, window_bounds = array<i64: 4096, 256>}, {transform_indices = @transform_2, window_bounds = array<i64: 256, 256>}, {transform_indices = @transform_3, window_bounds = array<i64: 256, 256>}]} {
    %get3A = arith.constant 0 : index
    %get3A_0 = arith.constant 0 : index
    %get3A_1 = vector.load %arg1[%get3A, %get3A_0] : memref<256x4096xf32, #tpu.memory_space<vmem>>, vector<256x4096xf32>
    %get3A_2 = arith.constant 0 : index
    %get3A_3 = arith.constant 0 : index
    %get3A_4 = vector.load %arg2[%get3A_2, %get3A_3] : memref<4096x256xf32, #tpu.memory_space<vmem>>, vector<4096x256xf32>
    %dot_general3A = arith.constant dense<0.000000e+00> : vector<256x256xf32>
    %dot_general3A_5 = tpu.matmul %get3A_1, %get3A_4, %dot_general3A {dimension_numbers = #tpu.dot_dimension_numbers<[1], [0], [0], [1], [0, 0, 1, 1], [], []>, transpose_lhs_hint = false} : vector<256x4096xf32>, vector<4096x256xf32>, vector<256x256xf32> -> vector<256x256xf32>
    %swap3A = arith.constant 0 : index
    %swap3A_6 = arith.constant 0 : index
    %swap3A_7 = vector.load %arg3[%swap3A, %swap3A_6] : memref<256x256xf32, #tpu.memory_space<vmem>>, vector<256x256xf32>
    tpu.vector_store %arg3[%swap3A, %swap3A_6], %dot_general3A_5 {strides = array<i32>} : memref<256x256xf32, #tpu.memory_space<vmem>>, vector<256x256xf32>,
    %mul3A = arith.mulf %dot_general3A_5, %dot_general3A_5 : vector<256x256xf32>
    %reduce_sum3A = arith.constant dense<0.000000e+00> : vector<256xf32>
    %reduce_sum3A_8 = vector.multi_reduction <add>, %mul3A, %reduce_sum3A [1] : vector<256x256xf32> to vector<256xf32>
    %broadcast_in_dim3A = vector.shape_cast %reduce_sum3A_8 : vector<256xf32> to vector<256x1xf32>
    %sqrt3A = math.sqrt %broadcast_in_dim3A : vector<256x1xf32>
    %max3A = arith.constant 9.99999996E-13 : f32
    %max3A_9 = vector.broadcast %max3A : f32 to vector<256x1xf32>
    %max3A_10 = arith.maximumf %sqrt3A, %max3A_9 : vector<256x1xf32>
    %div3A = vector.broadcast %max3A_10 : vector<256x1xf32> to vector<256x256xf32>
    %div3A_11 = arith.divf %dot_general3A_5, %div3A : vector<256x256xf32>
    %swap3A_12 = arith.constant 0 : index
    %swap3A_13 = arith.constant 0 : index
    %swap3A_14 = vector.load %arg4[%swap3A_12, %swap3A_13] : memref<256x256xf32, #tpu.memory_space<vmem>>, vector<256x256xf32>
    tpu.vector_store %arg4[%swap3A_12, %swap3A_13], %div3A_11 {strides = array<i32>} : memref<256x256xf32, #tpu.memory_space<vmem>>, vector<256x256xf32>,
    return
  }
  func.func @transform_0(%arg0: i32) -> (i32, i32) {
    %c0_i32 = arith.constant 0 : i32
    %c0_i32_0 = arith.constant 0 : i32
    return %arg0, %c0_i32 : i32, i32
  }
  func.func @transform_1(%arg0: i32) -> (i32, i32) {
    %c0_i32 = arith.constant 0 : i32
    %c0_i32_0 = arith.constant 0 : i32
    %c0_i32_1 = arith.constant 0 : i32
    return %c0_i32, %c0_i32_0 : i32, i32
  }
  func.func @transform_2(%arg0: i32) -> (i32, i32) {
    %c0_i32 = arith.constant 0 : i32
    %c0_i32_0 = arith.constant 0 : i32
    return %arg0, %c0_i32 : i32, i32
  }
  func.func @transform_3(%arg0: i32) -> (i32, i32) {
    %c0_i32 = arith.constant 0 : i32
    %c0_i32_0 = arith.constant 0 : i32
    return %arg0, %c0_i32 : i32, i32
  }
}

module attributes {stable_mosaic.version = 14 : i64} {
  func.func @_prop_out_body(%arg0: i32, %arg1: memref<256x4096xf32, #tpu.memory_space<vmem>>, %arg2: memref<4096x256xf32, #tpu.memory_space<vmem>>, %arg3: memref<64x256xf32, #tpu.memory_space<vmem>>, %arg4: memref<1x64xf32, #tpu.memory_space<vmem>>, %arg5: memref<256x64xf32, #tpu.memory_space<vmem>>) attributes {dimension_semantics = [#tpu.dimension_semantics<arbitrary>], iteration_bounds = array<i64: 16>, scalar_prefetch = 0 : i64, scratch_operands = 0 : i64, tpu.core_type = #tpu.core_type<tc>, window_params = [{transform_indices = @transform_0, window_bounds = array<i64: 256, 4096>}, {pipeline_mode = #tpu.pipeline_mode<synchronous>, transform_indices = @transform_1, window_bounds = array<i64: 4096, 256>}, {pipeline_mode = #tpu.pipeline_mode<synchronous>, transform_indices = @transform_2, window_bounds = array<i64: 64, 256>}, {pipeline_mode = #tpu.pipeline_mode<synchronous>, transform_indices = @transform_3, window_bounds = array<i64: 1, 64>}, {transform_indices = @transform_4, window_bounds = array<i64: 256, 64>}]} {
    %get3A = arith.constant 0 : index
    %get3A_0 = arith.constant 0 : index
    %get3A_1 = vector.load %arg1[%get3A, %get3A_0] : memref<256x4096xf32, #tpu.memory_space<vmem>>, vector<256x4096xf32>
    %get3A_2 = arith.constant 0 : index
    %get3A_3 = arith.constant 0 : index
    %get3A_4 = vector.load %arg2[%get3A_2, %get3A_3] : memref<4096x256xf32, #tpu.memory_space<vmem>>, vector<4096x256xf32>
    %dot_general3A = arith.constant dense<0.000000e+00> : vector<256x256xf32>
    %dot_general3A_5 = tpu.matmul %get3A_1, %get3A_4, %dot_general3A {dimension_numbers = #tpu.dot_dimension_numbers<[1], [0], [0], [1], [0, 0, 1, 1], [], []>, transpose_lhs_hint = false} : vector<256x4096xf32>, vector<4096x256xf32>, vector<256x256xf32> -> vector<256x256xf32>
    %get3A_6 = arith.constant 0 : index
    %get3A_7 = arith.constant 0 : index
    %get3A_8 = vector.load %arg3[%get3A_6, %get3A_7] : memref<64x256xf32, #tpu.memory_space<vmem>>, vector<64x256xf32>
    %dot_general3A_9 = arith.constant dense<0.000000e+00> : vector<256x64xf32>
    %dot_general3A_10 = tpu.matmul %dot_general3A_5, %get3A_8, %dot_general3A_9 {dimension_numbers = #tpu.dot_dimension_numbers<[1], [1], [0], [0], [0, 0, 1, 0], [], []>, transpose_lhs_hint = false} : vector<256x256xf32>, vector<64x256xf32>, vector<256x64xf32> -> vector<256x64xf32>
    %get3A_11 = arith.constant 0 : index
    %get3A_12 = arith.constant 0 : index
    %get3A_13 = vector.load %arg4[%get3A_11, %get3A_12] : memref<1x64xf32, #tpu.memory_space<vmem>>, vector<1x64xf32>
    %add3A = vector.broadcast %get3A_13 : vector<1x64xf32> to vector<256x64xf32>
    %add3A_14 = arith.addf %dot_general3A_10, %add3A : vector<256x64xf32>
    %swap3A = arith.constant 0 : index
    %swap3A_15 = arith.constant 0 : index
    %swap3A_16 = vector.load %arg5[%swap3A, %swap3A_15] : memref<256x64xf32, #tpu.memory_space<vmem>>, vector<256x64xf32>
    tpu.vector_store %arg5[%swap3A, %swap3A_15], %add3A_14 {strides = array<i32>} : memref<256x64xf32, #tpu.memory_space<vmem>>, vector<256x64xf32>,
    return
  }
  func.func @transform_0(%arg0: i32) -> (i32, i32) {
    %c0_i32 = arith.constant 0 : i32
    %c0_i32_0 = arith.constant 0 : i32
    return %arg0, %c0_i32 : i32, i32
  }
  func.func @transform_1(%arg0: i32) -> (i32, i32) {
    %c0_i32 = arith.constant 0 : i32
    %c0_i32_0 = arith.constant 0 : i32
    %c0_i32_1 = arith.constant 0 : i32
    return %c0_i32, %c0_i32_0 : i32, i32
  }
  func.func @transform_2(%arg0: i32) -> (i32, i32) {
    %c0_i32 = arith.constant 0 : i32
    %c0_i32_0 = arith.constant 0 : i32
    %c0_i32_1 = arith.constant 0 : i32
    return %c0_i32, %c0_i32_0 : i32, i32
  }
  func.func @transform_3(%arg0: i32) -> (i32, i32) {
    %c0_i32 = arith.constant 0 : i32
    %c0_i32_0 = arith.constant 0 : i32
    %c0_i32_1 = arith.constant 0 : i32
    return %c0_i32, %c0_i32_0 : i32, i32
  }
  func.func @transform_4(%arg0: i32) -> (i32, i32) {
    %c0_i32 = arith.constant 0 : i32
    %c0_i32_0 = arith.constant 0 : i32
    return %arg0, %c0_i32 : i32, i32
  }
}

module attributes {stable_mosaic.version = 14 : i64} {
  func.func @_sim_body(%arg0: i32, %arg1: i32, %arg2: memref<512x256xf32, #tpu.memory_space<vmem>>, %arg3: memref<512x256xf32, #tpu.memory_space<vmem>>, %arg4: memref<512x256xf32, #tpu.memory_space<vmem>>, %arg5: memref<512x256xf32, #tpu.memory_space<vmem>>, %arg6: memref<512x512xf32, #tpu.memory_space<vmem>>, %arg7: memref<1xf32, #tpu.memory_space<smem>>, %arg8: memref<512x1xf32, #tpu.memory_space<vmem>>, %arg9: memref<512x1xf32, #tpu.memory_space<vmem>>, %arg10: memref<512x1xf32, #tpu.memory_space<vmem>>, %arg11: memref<1xf32, #tpu.memory_space<smem>>) attributes {dimension_semantics = [#tpu.dimension_semantics<arbitrary>, #tpu.dimension_semantics<arbitrary>], iteration_bounds = array<i64: 8, 8>, scalar_prefetch = 0 : i64, scratch_operands = 4 : i64, tpu.core_type = #tpu.core_type<tc>, window_params = [{transform_indices = @transform_0, window_bounds = array<i64: 512, 256>}, {transform_indices = @transform_1, window_bounds = array<i64: 512, 256>}, {transform_indices = @transform_2, window_bounds = array<i64: 512, 256>}, {transform_indices = @transform_3, window_bounds = array<i64: 512, 256>}, {transform_indices = @transform_4, window_bounds = array<i64: 512, 512>}, {transform_indices = @transform_5, window_bounds = array<i64: 1>}]} {
    %eq3A = arith.constant 0 : i32
    %eq3A_0 = arith.cmpi eq, %arg0, %eq3A : i32
    %eq3A_1 = arith.constant 0 : i32
    %eq3A_2 = arith.cmpi eq, %arg1, %eq3A_1 : i32
    %and3A = arith.andi %eq3A_0, %eq3A_2 : i1
    %convert_element_type3A = arith.extui %and3A : i1 to i32
    %cond3A = arith.constant 0 : i32
    %cond3A_3 = arith.cmpi ne, %convert_element_type3A, %cond3A : i32
    scf.if %cond3A_3 {
      %swap3A_77 = arith.constant 0.000000e+00 : f32
      %swap3A_78 = arith.constant 0 : index
      %swap3A_79 = memref.load %arg11[%swap3A_78] : memref<1xf32, #tpu.memory_space<smem>>
      memref.store %swap3A_77, %arg11[%swap3A_78] : memref<1xf32, #tpu.memory_space<smem>>
    } else {
    }
    %eq3A_4 = arith.constant 0 : i32
    %eq3A_5 = arith.cmpi eq, %arg1, %eq3A_4 : i32
    %convert_element_type3A_6 = arith.extui %eq3A_5 : i1 to i32
    %cond3A_7 = arith.constant 0 : i32
    %cond3A_8 = arith.cmpi ne, %convert_element_type3A_6, %cond3A_7 : i32
    scf.if %cond3A_8 {
      %broadcast_in_dim3A_77 = arith.constant 0.000000e+00 : f32
      %broadcast_in_dim3A_78 = vector.broadcast %broadcast_in_dim3A_77 : f32 to vector<512x1xf32>
      %swap3A_79 = arith.constant 0 : index
      %swap3A_80 = arith.constant 0 : index
      %swap3A_81 = vector.load %arg8[%swap3A_79, %swap3A_80] : memref<512x1xf32, #tpu.memory_space<vmem>>, vector<512x1xf32>
      tpu.vector_store %arg8[%swap3A_79, %swap3A_80], %broadcast_in_dim3A_78 {strides = array<i32>} : memref<512x1xf32, #tpu.memory_space<vmem>>, vector<512x1xf32>,
      %broadcast_in_dim3A_82 = arith.constant 0.000000e+00 : f32
      %broadcast_in_dim3A_83 = vector.broadcast %broadcast_in_dim3A_82 : f32 to vector<512x1xf32>
      %swap3A_84 = arith.constant 0 : index
      %swap3A_85 = arith.constant 0 : index
      %swap3A_86 = vector.load %arg9[%swap3A_84, %swap3A_85] : memref<512x1xf32, #tpu.memory_space<vmem>>, vector<512x1xf32>
      tpu.vector_store %arg9[%swap3A_84, %swap3A_85], %broadcast_in_dim3A_83 {strides = array<i32>} : memref<512x1xf32, #tpu.memory_space<vmem>>, vector<512x1xf32>,
      %broadcast_in_dim3A_87 = arith.constant 0.000000e+00 : f32
      %broadcast_in_dim3A_88 = vector.broadcast %broadcast_in_dim3A_87 : f32 to vector<512x1xf32>
      %swap3A_89 = arith.constant 0 : index
      %swap3A_90 = arith.constant 0 : index
      %swap3A_91 = vector.load %arg10[%swap3A_89, %swap3A_90] : memref<512x1xf32, #tpu.memory_space<vmem>>, vector<512x1xf32>
      tpu.vector_store %arg10[%swap3A_89, %swap3A_90], %broadcast_in_dim3A_88 {strides = array<i32>} : memref<512x1xf32, #tpu.memory_space<vmem>>, vector<512x1xf32>,
    } else {
    }
    %get3A = arith.constant 0 : index
    %get3A_9 = arith.constant 0 : index
    %get3A_10 = vector.load %arg2[%get3A, %get3A_9] : memref<512x256xf32, #tpu.memory_space<vmem>>, vector<512x256xf32>
    %get3A_11 = arith.constant 0 : index
    %get3A_12 = arith.constant 0 : index
    %get3A_13 = vector.load %arg4[%get3A_11, %get3A_12] : memref<512x256xf32, #tpu.memory_space<vmem>>, vector<512x256xf32>
    %dot_general3A = arith.constant dense<0.000000e+00> : vector<512x512xf32>
    %dot_general3A_14 = tpu.matmul %get3A_10, %get3A_13, %dot_general3A {dimension_numbers = #tpu.dot_dimension_numbers<[1], [1], [0], [0], [0, 0, 1, 0], [], []>, transpose_lhs_hint = false} : vector<512x256xf32>, vector<512x256xf32>, vector<512x512xf32> -> vector<512x512xf32>
    %mul3A = arith.constant 2.000000e+00 : f32
    %mul3A_15 = vector.broadcast %mul3A : f32 to vector<512x512xf32>
    %mul3A_16 = arith.mulf %dot_general3A_14, %mul3A_15 : vector<512x512xf32>
    %exp3A = math.exp %mul3A_16 : vector<512x512xf32>
    %get3A_17 = arith.constant 0 : index
    %get3A_18 = arith.constant 0 : index
    %get3A_19 = vector.load %arg3[%get3A_17, %get3A_18] : memref<512x256xf32, #tpu.memory_space<vmem>>, vector<512x256xf32>
    %get3A_20 = arith.constant 0 : index
    %get3A_21 = arith.constant 0 : index
    %get3A_22 = vector.load %arg5[%get3A_20, %get3A_21] : memref<512x256xf32, #tpu.memory_space<vmem>>, vector<512x256xf32>
    %dot_general3A_23 = arith.constant dense<0.000000e+00> : vector<512x512xf32>
    %dot_general3A_24 = tpu.matmul %get3A_19, %get3A_22, %dot_general3A_23 {dimension_numbers = #tpu.dot_dimension_numbers<[1], [1], [0], [0], [0, 0, 1, 0], [], []>, transpose_lhs_hint = false} : vector<512x256xf32>, vector<512x256xf32>, vector<512x512xf32> -> vector<512x512xf32>
    %mul3A_25 = arith.constant 2.000000e+00 : f32
    %mul3A_26 = vector.broadcast %mul3A_25 : f32 to vector<512x512xf32>
    %mul3A_27 = arith.mulf %dot_general3A_24, %mul3A_26 : vector<512x512xf32>
    %exp3A_28 = math.exp %mul3A_27 : vector<512x512xf32>
    %get3A_29 = arith.constant 0 : index
    %get3A_30 = arith.constant 0 : index
    %get3A_31 = vector.load %arg6[%get3A_29, %get3A_30] : memref<512x512xf32, #tpu.memory_space<vmem>>, vector<512x512xf32>
    %gt3A = arith.constant 0.000000e+00 : f32
    %gt3A_32 = vector.broadcast %gt3A : f32 to vector<512x512xf32>
    %gt3A_33 = arith.cmpf ogt, %get3A_31, %gt3A_32 : vector<512x512xf32>
    %convert_element_type3A_34 = arith.extui %gt3A_33 : vector<512x512xi1> to vector<512x512xi32>
    %convert_element_type3A_35 = arith.sitofp %convert_element_type3A_34 : vector<512x512xi32> to vector<512x512xf32>
    %get3A_36 = arith.constant 0 : index
    %get3A_37 = arith.constant 0 : index
    %get3A_38 = vector.load %arg8[%get3A_36, %get3A_37] : memref<512x1xf32, #tpu.memory_space<vmem>>, vector<512x1xf32>
    %reduce_sum3A = arith.constant dense<0.000000e+00> : vector<512xf32>
    %reduce_sum3A_39 = vector.multi_reduction <add>, %exp3A, %reduce_sum3A [1] : vector<512x512xf32> to vector<512xf32>
    %broadcast_in_dim3A = vector.shape_cast %reduce_sum3A_39 : vector<512xf32> to vector<512x1xf32>
    %add3A = arith.addf %get3A_38, %broadcast_in_dim3A : vector<512x1xf32>
    %swap3A = arith.constant 0 : index
    %swap3A_40 = arith.constant 0 : index
    %swap3A_41 = vector.load %arg8[%swap3A, %swap3A_40] : memref<512x1xf32, #tpu.memory_space<vmem>>, vector<512x1xf32>
    tpu.vector_store %arg8[%swap3A, %swap3A_40], %add3A {strides = array<i32>} : memref<512x1xf32, #tpu.memory_space<vmem>>, vector<512x1xf32>,
    %get3A_42 = arith.constant 0 : index
    %get3A_43 = arith.constant 0 : index
    %get3A_44 = vector.load %arg9[%get3A_42, %get3A_43] : memref<512x1xf32, #tpu.memory_space<vmem>>, vector<512x1xf32>
    %reduce_sum3A_45 = arith.constant dense<0.000000e+00> : vector<512xf32>
    %reduce_sum3A_46 = vector.multi_reduction <add>, %exp3A_28, %reduce_sum3A_45 [1] : vector<512x512xf32> to vector<512xf32>
    %broadcast_in_dim3A_47 = vector.shape_cast %reduce_sum3A_46 : vector<512xf32> to vector<512x1xf32>
    %add3A_48 = arith.addf %get3A_44, %broadcast_in_dim3A_47 : vector<512x1xf32>
    %swap3A_49 = arith.constant 0 : index
    %swap3A_50 = arith.constant 0 : index
    %swap3A_51 = vector.load %arg9[%swap3A_49, %swap3A_50] : memref<512x1xf32, #tpu.memory_space<vmem>>, vector<512x1xf32>
    tpu.vector_store %arg9[%swap3A_49, %swap3A_50], %add3A_48 {strides = array<i32>} : memref<512x1xf32, #tpu.memory_space<vmem>>, vector<512x1xf32>,
    %get3A_52 = arith.constant 0 : index
    %get3A_53 = arith.constant 0 : index
    %get3A_54 = vector.load %arg10[%get3A_52, %get3A_53] : memref<512x1xf32, #tpu.memory_space<vmem>>, vector<512x1xf32>
    %add3A_55 = arith.addf %exp3A, %exp3A_28 : vector<512x512xf32>
    %mul3A_56 = arith.mulf %add3A_55, %convert_element_type3A_35 : vector<512x512xf32>
    %reduce_sum3A_57 = arith.constant dense<0.000000e+00> : vector<512xf32>
    %reduce_sum3A_58 = vector.multi_reduction <add>, %mul3A_56, %reduce_sum3A_57 [1] : vector<512x512xf32> to vector<512xf32>
    %broadcast_in_dim3A_59 = vector.shape_cast %reduce_sum3A_58 : vector<512xf32> to vector<512x1xf32>
    %add3A_60 = arith.addf %get3A_54, %broadcast_in_dim3A_59 : vector<512x1xf32>
    %swap3A_61 = arith.constant 0 : index
    %swap3A_62 = arith.constant 0 : index
    %swap3A_63 = vector.load %arg10[%swap3A_61, %swap3A_62] : memref<512x1xf32, #tpu.memory_space<vmem>>, vector<512x1xf32>
    tpu.vector_store %arg10[%swap3A_61, %swap3A_62], %add3A_60 {strides = array<i32>} : memref<512x1xf32, #tpu.memory_space<vmem>>, vector<512x1xf32>,
    %eq3A_64 = arith.constant 7 : i32
    %eq3A_65 = arith.cmpi eq, %arg1, %eq3A_64 : i32
    %convert_element_type3A_66 = arith.extui %eq3A_65 : i1 to i32
    %cond3A_67 = arith.constant 0 : i32
    %cond3A_68 = arith.cmpi ne, %convert_element_type3A_66, %cond3A_67 : i32
    scf.if %cond3A_68 {
      %get3A_77 = arith.constant 0 : index
      %get3A_78 = arith.constant 0 : index
      %get3A_79 = vector.load %arg10[%get3A_77, %get3A_78] : memref<512x1xf32, #tpu.memory_space<vmem>>, vector<512x1xf32>
      %get3A_80 = arith.constant 0 : index
      %get3A_81 = arith.constant 0 : index
      %get3A_82 = vector.load %arg8[%get3A_80, %get3A_81] : memref<512x1xf32, #tpu.memory_space<vmem>>, vector<512x1xf32>
      %sub3A = arith.subf %get3A_82, %get3A_79 : vector<512x1xf32>
      %get3A_83 = arith.constant 0 : index
      %get3A_84 = arith.constant 0 : index
      %get3A_85 = vector.load %arg9[%get3A_83, %get3A_84] : memref<512x1xf32, #tpu.memory_space<vmem>>, vector<512x1xf32>
      %add3A_86 = arith.addf %sub3A, %get3A_85 : vector<512x1xf32>
      %div3A = arith.divf %get3A_79, %add3A_86 : vector<512x1xf32>
      %log3A = math.log %div3A : vector<512x1xf32>
      %neg3A = arith.constant 0.000000e+00 : f32
      %neg3A_87 = vector.broadcast %neg3A : f32 to vector<512x1xf32>
      %neg3A_88 = arith.subf %neg3A_87, %log3A : vector<512x1xf32>
      %get3A_89 = arith.constant 0 : index
      %get3A_90 = memref.load %arg11[%get3A_89] : memref<1xf32, #tpu.memory_space<smem>>
      %reduce_sum3A_91 = vector.shape_cast %neg3A_88 : vector<512x1xf32> to vector<1x512x1xf32>
      %reduce_sum3A_92 = arith.constant dense<0.000000e+00> : vector<1xf32>
      %reduce_sum3A_93 = vector.multi_reduction <add>, %reduce_sum3A_91, %reduce_sum3A_92 [1, 2] : vector<1x512x1xf32> to vector<1xf32>
      %reduce_sum3A_94 = vector.shape_cast %reduce_sum3A_93 : vector<1xf32> to vector<1x1x1xf32>
      %reduce_sum3A_95 = vector.extract %reduce_sum3A_94[0, 0, 0] : f32 from vector<1x1x1xf32>
      %add3A_96 = arith.addf %get3A_90, %reduce_sum3A_95 : f32
      %swap3A_97 = arith.constant 0 : index
      %swap3A_98 = memref.load %arg11[%swap3A_97] : memref<1xf32, #tpu.memory_space<smem>>
      memref.store %add3A_96, %arg11[%swap3A_97] : memref<1xf32, #tpu.memory_space<smem>>
    } else {
    }
    %eq3A_69 = arith.constant 7 : i32
    %eq3A_70 = arith.cmpi eq, %arg0, %eq3A_69 : i32
    %eq3A_71 = arith.constant 7 : i32
    %eq3A_72 = arith.cmpi eq, %arg1, %eq3A_71 : i32
    %and3A_73 = arith.andi %eq3A_70, %eq3A_72 : i1
    %convert_element_type3A_74 = arith.extui %and3A_73 : i1 to i32
    %cond3A_75 = arith.constant 0 : i32
    %cond3A_76 = arith.cmpi ne, %convert_element_type3A_74, %cond3A_75 : i32
    scf.if %cond3A_76 {
      %get3A_77 = arith.constant 0 : index
      %get3A_78 = memref.load %arg11[%get3A_77] : memref<1xf32, #tpu.memory_space<smem>>
      %swap3A_79 = arith.constant 0 : index
      %swap3A_80 = memref.load %arg7[%swap3A_79] : memref<1xf32, #tpu.memory_space<smem>>
      memref.store %get3A_78, %arg7[%swap3A_79] : memref<1xf32, #tpu.memory_space<smem>>
    } else {
    }
    return
  }
  func.func @transform_0(%arg0: i32, %arg1: i32) -> (i32, i32) {
    %c0_i32 = arith.constant 0 : i32
    %c0_i32_0 = arith.constant 0 : i32
    return %arg0, %c0_i32 : i32, i32
  }
  func.func @transform_1(%arg0: i32, %arg1: i32) -> (i32, i32) {
    %c0_i32 = arith.constant 0 : i32
    %c0_i32_0 = arith.constant 0 : i32
    return %arg0, %c0_i32 : i32, i32
  }
  func.func @transform_2(%arg0: i32, %arg1: i32) -> (i32, i32) {
    %c0_i32 = arith.constant 0 : i32
    %c0_i32_0 = arith.constant 0 : i32
    return %arg1, %c0_i32 : i32, i32
  }
  func.func @transform_3(%arg0: i32, %arg1: i32) -> (i32, i32) {
    %c0_i32 = arith.constant 0 : i32
    %c0_i32_0 = arith.constant 0 : i32
    return %arg1, %c0_i32 : i32, i32
  }
  func.func @transform_4(%arg0: i32, %arg1: i32) -> (i32, i32) {
    %c0_i32 = arith.constant 0 : i32
    return %arg0, %arg1 : i32, i32
  }
  func.func @transform_5(%arg0: i32, %arg1: i32) -> i32 {
    %c0_i32 = arith.constant 0 : i32
    %c0_i32_0 = arith.constant 0 : i32
    return %c0_i32 : i32
  }
}

</mosaic_0001>

<sc_bundles>
// kernel: kernel.9.cloned.1.call-start
scs
__scs_entry_jumppad:
0x0: {  	(pc) =	sbr.rel $0x88, $3  }
0x1: {  	(tag) =	ssettag $0x0;
	lr =	simm.s32 $0x1  }
0x2: {  	[smem:$0x3F9A] =	sst lr;
	_ =	strace $0xD0000000  }
0x3: {  	_ = 	snop  }
0x4: {  	_ = 	snop  }
0x5: {  	_ = 	snop  }
0x6: {  	_ = 	snop  }
0x7: {  	_ = 	snop  }
__scs_overlays_trampoline_lowered:
0x8: {  	[smem:$0x3FA9] =	sst s0  }
0x9: {  	[smem:$0x3FAA] =	sst s1  }
0xa: {  	[smem:$0x3FAB] =	sst s2  }
0xb: {  	[smem:$0x3FAC] =	sst s3  }
0xc: {  	[smem:$0x3FAD] =	sst s4  }
0xd: {  	[smem:$0x3FAE] =	sst s5  }
0xe: {  	[smem:$0x3FAF] =	sst s6  }
0xf: {  	[smem:$0x3FB0] =	sst s7  }
0x10: {  	[smem:$0x3FB1] =	sst s8  }
0x11: {  	[smem:$0x3FB2] =	sst s9;
	s0 =	simm.s32 @!p0 $0x0  }
0x12: {  	s1 =	sld [smem:$0x3F98];
	s0 =	simm.s32 @p0 $0x1  }
0x13: {  	[smem:$0x3FB3] =	sst s0;
	s0 =	simm.s32 @!p1 $0x0  }
0x14: {  	s2 =	sld [smem:$0x3F97];
	s0 =	simm.s32 @p1 $0x1  }
0x15: {  	[smem:$0x3FB4] =	sst s0;
	s0 =	simm.s32 @!p2 $0x0  }
0x16: {  	s3 =	sld [smem:$0x3FDB];
	s0 =	simm.s32 @p2 $0x1  }
0x17: {  	s4 =	simm.s32 $0x1BF5;
	[smem:$0x3FB6] =	sst s0  }
0x18: {  	s0 =	sld [smem:$0x3F99];
	_ =	swait.ge [sflag:s4], $0x0  }
0x19: {  	s7 =	sld [smem:$0x3F9A]  }
0x1a: {  	s8 =	sadd.s32 $0xFFFFE003, lr  }
0x1b: {  	s9 =	sadd.s32 $0xFFFFFEF7, lr;
	s5 =	simm.s32 $0xFFFFFFFF;
	p2 =	slt.u32 s8, $0xFFFFF086  }
0x1c: {  	p1 =	slt.u32 s9, $0xF7A;
	s5 =	simm.s32 @!p2 $0x0  }
0x1d: {  	s5 =	simm.s32 @p1 $0x1;
	p0 =	seq.s32 s7, s2  }
0x1e: {  	s7 =	smul.u32 @!p0 $0xF7A, s2;
	p2 =	seq.s32 @!p0 s5, $0x0  }
0x1f: {  	s9 =	smul.u32 $0xF7A, s1;
	s8 =	simm.s32 @!p0 $0x1BF5;
	p2 =	por !p2, p0  }
0x20: {  	[sflag:s8] =	ssyncset.s32 @!p0 $0xFFFFF086;
	s6 =	sadd.s32 @!p0 s3, s7;
	s7 =	simm.s32 @!p0 $0x108  }
0x21: {  	s3 =	sadd.s32 s3, s9;
	s6 =	sadd.s32 @!p0 $0x88, s6;
	s7 =	simm.s32 @p2 $0x1082  }
0x22: {  	[simem:s7], [sflag:s8] =	dma.local @!p0 [hbm:s6], $0xF7A  }
0x23: {  	s9 =	sor.u32 $0xD0000000, s2;
	s6 =	simm.s32 $0x108;
	_ =	swait.ge @!p0 [sflag:s8], $0x0  }
0x24: {  	s3 =	sadd.s32 $0x88, s3;
	s6 =	simm.s32 @!p1 $0x1082;
	[sflag:s4] =	ssyncset.s32 $0xFFFFF086  }
0x25: {  	[simem:s6], [sflag:s4] =	dma.local [hbm:s3], $0xF7A  }
0x26: {  	[smem:$0x3F9A] =	sst s1;
	(tag) =	ssettag s2;
	_ =	strace s9  }
0x27: {  	s1 =	sld [smem:$0x3FAA]  }
0x28: {  	s2 =	sld [smem:$0x3FAB]  }
0x29: {  	s4 =	sld [smem:$0x3FAD]  }
0x2a: {  	p0 =	seq.s32 s5, $0x0;
	s5 =	sld [smem:$0x3FAE]  }
0x2b: {  	s6 =	sld [smem:$0x3FAF]  }
0x2c: {  	s7 =	sld [smem:$0x3FB0]  }
0x2d: {  	s3 =	simm.s32 $0x108;
	s8 =	sld [smem:$0x3FB1]  }
0x2e: {  	s3 =	simm.s32 @!p0 $0x1082;
	s9 =	sld [smem:$0x3FB2]  }
0x2f: {  	lr =	sadd.s32 s0, s3;
	s0 =	sld [smem:$0x3FA9]  }
0x30: {  	s3 =	sld [smem:$0x3FAC]  }
0x31: {  	[smem:$0x3FB5] =	sst s10  }
0x32: {  	s10 =	sld [smem:$0x3FB3];
	_ =	sdelay $0x3  }
0x33: {  	p0 =	seq.s32 s10, $0x1;
	s10 =	sld [smem:$0x3FB5];
	_ =	sdelay $0x3  }
0x34: {  	[smem:$0x3FB5] =	sst s10  }
0x35: {  	s10 =	sld [smem:$0x3FB4];
	_ =	sdelay $0x3  }
0x36: {  	p1 =	seq.s32 s10, $0x1;
	s10 =	sld [smem:$0x3FB5];
	_ =	sdelay $0x3  }
0x37: {  	[smem:$0x3FB5] =	sst s10  }
0x38: {  	s10 =	sld [smem:$0x3FB6]  }
0x39: {  	_ = 	snop;
	(pc) =	sbr.ind lr, $3  }
0x3a: {  	_ = 	snop  }
0x3b: {  	_ = 	snop  }
0x3c: {  	p2 =	seq.s32 s10, $0x1;
	s10 =	sld [smem:$0x3FB5]  }
0x3d: {  	_ =	shalt  }
0x3e: {  	_ =	shalt  }
0x3f: {  	_ =	shalt  }
0x40: {  	_ =	shalt  }
0x41: {  	_ =	shalt  }
0x42: {  	_ =	shalt  }
0x43: {  	_ =	shalt  }
0x44: {  	_ =	shalt  }
0x45: {  	_ =	shalt  }
0x46: {  	_ =	shalt  }
0x47: {  	_ =	shalt  }
0x48: {  	_ =	shalt  }
0x49: {  	_ =	shalt  }
0x4a: {  	_ =	shalt  }
0x4b: {  	_ =	shalt  }
0x4c: {  	_ =	shalt  }
0x4d: {  	_ =	shalt  }
0x4e: {  	_ =	shalt  }
0x4f: {  	_ =	shalt  }
0x50: {  	_ =	shalt  }
0x51: {  	_ =	shalt  }
0x52: {  	_ =	shalt  }
0x53: {  	_ =	shalt  }
0x54: {  	_ =	shalt  }
0x55: {  	_ =	shalt  }
0x56: {  	_ =	shalt  }
0x57: {  	_ =	shalt  }
0x58: {  	_ =	shalt  }
0x59: {  	_ =	shalt  }
0x5a: {  	_ =	shalt  }
0x5b: {  	_ =	shalt  }
0x5c: {  	_ =	shalt  }
0x5d: {  	_ =	shalt  }
0x5e: {  	_ =	shalt  }
0x5f: {  	_ =	shalt  }
0x60: {  	_ =	shalt  }
0x61: {  	_ =	shalt  }
0x62: {  	_ =	shalt  }
0x63: {  	_ =	shalt  }
0x64: {  	_ =	shalt  }
0x65: {  	_ =	shalt  }
0x66: {  	_ =	shalt  }
0x67: {  	_ =	shalt  }
0x68: {  	_ =	shalt  }
0x69: {  	_ =	shalt  }
0x6a: {  	_ =	shalt  }
0x6b: {  	_ =	shalt  }
0x6c: {  	_ =	shalt  }
0x6d: {  	_ =	shalt  }
0x6e: {  	_ =	shalt  }
0x6f: {  	_ =	shalt  }
0x70: {  	_ =	shalt  }
0x71: {  	_ =	shalt  }
0x72: {  	_ =	shalt  }
0x73: {  	_ =	shalt  }
0x74: {  	_ =	shalt  }
0x75: {  	_ =	shalt  }
0x76: {  	_ =	shalt  }
0x77: {  	_ =	shalt  }
0x78: {  	_ =	shalt  }
0x79: {  	_ =	shalt  }
0x7a: {  	_ =	shalt  }
0x7b: {  	_ =	shalt  }
0x7c: {  	_ =	shalt  }
0x7d: {  	_ =	shalt  }
0x7e: {  	_ =	shalt  }
0x7f: {  	_ =	shalt  }
0x80: {  	_ =	shalt  }
0x81: {  	_ =	shalt  }
0x82: {  	_ =	shalt  }
0x83: {  	_ =	shalt  }
0x84: {  	_ =	shalt  }
0x85: {  	_ =	shalt  }
0x86: {  	_ =	shalt  }
0x87: {  	_ =	shalt  }
.Lfunc_end0:
.L_simem_size_0:
called_computation_lowered:
.L_overlay_start_0:
0x88: {  	s2 =	sld [smem:$0x3FD9]  }
0x89: {  	s3 =	sld [smem:$0x3FFE];
	_ =	sdelay $0x1  }
0x8a: {  	s1 =	srdreg.scid  }
0x8b: {  	s0 =	sand.u32 $0x1, s1  }
0x8c: {  	s16 =	sshll.u32 s0, $0xA;
	s2 =	sadd.s32 s3, s2  }
0x8d: {  	s2 =	sadd.s32 s2, s16  }
0x8e: {  	[smem:$0x3FC1] =	sst s2  }
0x8f: {  	_ = 	snop  }
0x90: {  	(tm) =	ssettm $0x1  }
0x91: {  	s17 =	sld [smem:$0x3FFB];
	_ =	sdelay $0x3  }
0x92: {  	_ =	strace s17  }
0x93: {  	s2 =	sld [smem:$0x3FFC];
	_ =	sdelay $0x3  }
0x94: {  	_ =	strace s2  }
0x95: {  	s2 =	sld [smem:$0x3FFD];
	_ =	sdelay $0x3  }
0x96: {  	_ =	strace s2  }
0x97: {  	_ =	strace $0x8FFFFFFF  }
0x98: {  	s18 =	sld [smem:$0x3FDB];
	_ =	sdelay $0x1  }
0x99: {  	s19 =	simm.s32 $_scs_section_size  }
0x9a: {  	s4 =	simm.s32 $_size__tile_overlayer_lowered;
	s5 =	simm.s32 $_tile_overlayer_lowered  }
0x9b: {  	s22 =	simm.s32 $0x1BFF;
	s21 =	sshll.u32 s5, $0x1;
	s2 =	sadd.s32 s19, s18  }
0x9c: {  	s6 =	simm.s32 $0x0;
	s20 =	sshll.u32 s4, $0x1;
	s4 =	sadd.s32 s21, s2  }
0x9d: {  	[timem:s6], [sflag:s22] =	dma.local [hbm:s4], s20  }
0x9e: {  	_ =	swait.ge [sflag:s22], s20  }
0x9f: {  	s3 =	ssub.s32 $0x0, s20;
	[sflag:s22] =	ssyncset.done $0x0  }
0xa0: {  	[sflag:s22] =	ssyncadd.s32 s3;
	_ =	sdelay $0x1  }
0xa1: {  	s23 =	simm.s32 $0x1B8B  }
0xa2: {  	_ =	swait.ge [sflag:s23], $0x1  }
0xa3: {  	[sflag:s23] =	ssyncset.done $0x0  }
0xa4: {  	s25 =	simm.s32 $0x1B8E;
	s24 =	sld [smem:$0x3FFE];
	[sflag:s23] =	ssyncadd.s32 $0xFFFFFFFF  }
0xa5: {  	s26 =	simm.s32 $execute0_lowered;
	[smem:$0x3FD2] =	sst s25  }
0xa6: {  	s4 =	sshll.u32 s26, $0x1;
	_ =	strace $0x80000046;
	[dreg:$0x1] =	wrdreg $0xFFFFFFFF  }
0xa7: {  	s28 =	simm.s32 $_size_execute0_lowered;
	s2 =	sadd.s32 s2, s4;
	[dreg:$0x0] =	wrdreg $0x0  }
0xa8: {  	s4 =	sshll.u32 s28, $0x1;
	[dreg:$0x2] =	wrdreg s2  }
0xa9: {  	[dreg:$0x3] =	wrdreg s4  }
0xaa: {  	[dreg:$0x4] =	wrdreg $0xC0  }
0xab: {  	_ =	task [dreg:s6], $0x5FFFF  }
0xac: {  	[dreg:$0x1] =	wrdreg $0xFFFFFFFF  }
0xad: {  	[dreg:$0x0] =	wrdreg $0x60  }
0xae: {  	[dreg:$0x2] =	wrdreg s24  }
0xaf: {  	[dreg:$0x3] =	wrdreg $0xC0800  }
0xb0: {  	[dreg:$0x4] =	wrdreg $0x9  }
0xb1: {  	_ =	task.clear_ibuf [dreg:s6], $0x5FFFF;
	_ =	strace $0x90000046  }
0xb2: {  	s29 =	simm.s32 $0x9;
	_ =	strace $0x80000048  }
0xb3: {  	_ =	swait.ge [sflag:s29], $0x1  }
0xb4: {  	[sflag:s29] =	ssyncadd.s32 $0xFFFFFFFF  }
0xb5: {  	_ =	strace $0x90000048  }
0xb6: {  	_ =	sfence  }
0xb7: {  	s30 =	sld [smem:$0x0];
	_ =	sdelay $0x2  }
0xb8: {  	s31 =	sshll.u32 s1, $0xD;
	s1 =	sshrl.u32 s1, $0x2  }
0xb9: {  	s3 =	sand.u32 $0x4000, s31;
	s1 =	sadd.s32 s1, s30  }
0xba: {  	s0 =	sor.u32 s3, s0;
	s1 =	sshll.u32 s1, $0x11  }
0xbb: {  	s0 =	sor.u32 s1, s0  }
0xbc: {  	s0 =	sadd.s32 $0x8F2B, s0  }
0xbd: {  	[sflag:s0] =	ssyncadd.remote.s32 $0x1  }
0xbe: {  	_ =	sfence.sel $0xFFFF  }
0xbf: {  	[dreg:$0x0] =	wrdreg $0xFFFFFFFF;
	(pc) =	sbr.abs _section_cstart, $3  }
0xc0: {  	[dreg:$0x1] =	wrdreg $0xFFFFFFFF  }
0xc1: {  	_ =	task.clear_ibuf [dreg:s6], $0x2FFFF;
	_ =	strace $0x9FFFFFFF  }
0xc2: {  	(tm) =	ssettm $0x7FFFFFFF  }
0xc3: {  	_ =	shalt  }
tec
execute0_lowered:
.L_overlay_start_1:
0x0: {  	(tag) =	ssettag $0x1  }
0x1: {  	s5 =	rddreg [dreg:$0x0]  }
0x2: {  	s2 =	rddreg [dreg:$0x1]  }
0x3: {  	s0 =	rddreg [dreg:$0x2];
	s3 =	simm.s32 $0x0;
	s1 =	stileid.u32  }
0x4: {  	s4 =	srdreg.scid;
	s18 =	simm.s32 $0x1;
	s19 =	simm.s32 $0x2000  }
0x5: {  	s20 =	simm.s32 $0x8000;
	s21 =	simm.s32 $0x4000;
	s22 =	simm.s32 $0x6000  }
0x6: {  	s23 =	simm.s32 $0xC000;
	[smem:$0x7FF] =	sst s3;
	s6 =	sshll.u32 s1, $0xA  }
0x7: {  	s7 =	sand.u32 $0x1, s4;
	s4 =	sadd.s32 $0x211C00, s5;
	s12 =	sshll.u32 s1, $0xF  }
0x8: {  	s13 =	sshll.u32 s1, $0x6;
	s17 =	sshll.u32 s1, $0xC;
	_ =	strace $0x80000047  }
0x9: {  	s15 =	sadd.s32 s6, s5;
	s31 =	ssub.s32 $0x2, s7;
	s5 =	sadd.s32 $0x11C00, s5  }
.Ltmp0:
0xa: {  	p0 =	seq.s32 s7, $0x1;
	s6 =	sadd.s32 s12, s2;
	(pc) =	sbr.rel .LBB2_1-.Ltmp0, $4  }
0xb: {  	s12 =	sor.u32 $0xFFF80000, s12;
	s17 =	sor.u32 $0x1F0000, s17;
	s8 =	sshrl.u32 s31, $0x1  }
0xc: {  	s7 =	sadd.s32 $0x1C00, s15;
	s9 =	sadd.s32 $0x4000, s6;
	s10 =	sadd.s32 $0x80200, s6  }
0xd: {  	s11 =	sadd.s32 $0x84200, s6;
	s14 =	sadd.s32 $0x9C00, s15;
	s16 =	ssub.s32 s31, s8  }
0xe: {  	v0 =	vimm.f32 $0.0e+00;
	s8 =	sadd.s32 $0x5C00, s15;
	s15 =	sadd.s32 $0xDC00, s15;
	s16 =	smax.u32 s16, $0x1  }
.LBB2_20:
0xf: {  	_ =	sdelay $0x7ff  }
0x10: {  	_ =	sdelay $0x7ff  }
0x11: {  	_ =	sdelay $0x7ff  }
0x12: {  	_ =	sdelay $0x7ff  }
0x13: {  	_ =	sdelay $0x7ff  }
0x14: {  	_ =	sdelay $0x7ff  }
0x15: {  	_ =	sdelay $0x7ff  }
0x16: {  	_ =	sdelay $0x7ff  }
0x17: {  	_ =	sdelay $0x7ff  }
0x18: {  	_ =	sdelay $0x7ff  }
0x19: {  	_ =	sdelay $0x7ff  }
0x1a: {  	_ =	sdelay $0x7ff  }
0x1b: {  	_ =	sdelay $0x7ff  }
0x1c: {  	_ =	sdelay $0x7ff  }
0x1d: {  	s24 =	sadd.s32 s17, s24;
	_ =	sdelay $0x7ff  }
0x1e: {  	s25 =	sor.u32 $0x1C01, s13;
	s26 =	sshrl.u32 s10, $0x3;
	_ =	sdelay $0xe  }
0x1f: {  	[hbm:s24], [sflag:s25] =	dma.local [spmem:s26], $0x1000  }
0x20: {  	_ =	swait.ge [sflag:s18], $0x1000  }
0x21: {  	[sflag:s18] =	ssyncset.done $0x0  }
0x22: {  	[sflag:s18] =	ssyncadd.s32 $0xFFFFF000  }
0x23: {  	[spmem:s10] =	stream.linear.scatter [tilespmem:s20], [sflag:$0x1], $0x4000, $0x38;
	[tilespmem:$0x1C0C0] =	vst v63  }
0x24: {  	s3 =	sadd.s32 $0x1, s3;
	_ =	swait.ge [sflag:s18], $0x4000  }
0x25: {  	p1 =	sne.s32 s3, s16;
	[sflag:s18] =	ssyncset.done $0x0  }
.Ltmp1:
0x26: {  	[sflag:s18] =	ssyncadd.s32 $0xFFFFC000;
	(pc) =	sbr.rel @!p1 .LBB2_21-.Ltmp1, $4  }
0x27: {  	[spmem:s11] =	stream.linear.scatter [tilespmem:s20], [sflag:$0x1], $0x4000, $0x38;
	[tilespmem:$0x1C0C0] =	vst v63  }
0x28: {  	_ =	swait.ge [sflag:s18], $0x4000  }
0x29: {  	[sflag:s18] =	ssyncset.done $0x0  }
0x2a: {  	[sflag:s18] =	ssyncadd.s32 $0xFFFFC000  }
.LBB2_1:
.Ltmp2:
0x2b: {  	(pc) =	sbr.rel @!p0 .LBB2_2-.Ltmp2, $2  }
0x2c: {  	_ =	sdelay $0x2  }
0x2d: {  	s24 =	simm.s32 $0x0  }
0x2e: {  	[tilespmem:s24], [sflag:$0x1] =	stream.linear.gather [hbm4b:s14+s24], $0x2000, $0x38;
	[tilespmem:$0x1C0C0] =	vst v63  }
0x2f: {  	_ =	swait.ge [sflag:s18], $0x2000  }
0x30: {  	[sflag:s18] =	ssyncset.done $0x0  }
0x31: {  	[sflag:s18] =	ssyncadd.s32 $0xFFFFE000  }
0x32: {  	[tilespmem:s19], [sflag:$0x1] =	stream.linear.gather [hbm4b:s15+s24], $0x2000, $0x38;
	[tilespmem:$0x1C0C0] =	vst v63  }
0x33: {  	_ =	swait.ge [sflag:s18], $0x2000  }
0x34: {  	[sflag:s18] =	ssyncset.done $0x0  }
0x35: {  	s25 =	simm.s32 $0x0;
	[sflag:s18] =	ssyncadd.s32 $0xFFFFE000  }
0x36: {  	v1 =	vld [tilespmem:s25+$0x0]  }
0x37: {  	v2 =	vld [tilespmem:s25+$0x2000];
	_ =	sdelay $0x3  }
0x38: {  	v1 =	vshll.u32 v1, $0xC  }
0x39: {  	v1 =	vadd.s32 v2, v1  }
0x3a: {  	v2 =	vand.u32 $0x7FFFF, v1  }
0x3b: {  	s28 =	simm.s32 $0x10;
	s26 =	simm.s32 $0x80;
	s24 =	simm.s32 $0x40;
	v1 =	vshrl.u32 v1, $0x13;
	[tilespmem:s25+$0x0] =	vst v2  }
.LBB2_12:
0x3c: {  	p1 =	sne.s32 s26, $0x7FC0;
	v2 =	vld [tilespmem:s28+$0x0];
	[tilespmem:s25+$0x2000] =	vst v1;
	s25 =	smov.u32 s28  }
0x3d: {  	v1 =	vld [tilespmem:s25+$0x2000];
	_ =	sdelay $0x2  }
.Ltmp3:
0x3e: {  	(pc) =	sbr.rel @p1 .LBB2_12-.Ltmp3, $4  }
0x3f: {  	v2 =	vshll.u32 v2, $0xC  }
0x40: {  	v1 =	vadd.s32 v1, v2  }
0x41: {  	v2 =	vand.u32 $0x7FFFF, v1;
	v1 =	vshrl.u32 v1, $0x13  }
0x42: {  	s28 =	sshra.s32 s26, $0x2;
	s26 =	sadd.s32 $0x40, s26;
	[tilespmem:s25+$0x0] =	vst v2  }
0x43: {  	v2 =	vld [tilespmem:s28+$0x0];
	[tilespmem:s25+$0x2000] =	vst v1  }
0x44: {  	v1 =	vld [tilespmem:s28+$0x2000];
	_ =	sdelay $0x3  }
0x45: {  	v2 =	vshll.u32 v2, $0xC  }
0x46: {  	v1 =	vadd.s32 v1, v2  }
0x47: {  	v2 =	vand.u32 $0x7FFFF, v1  }
0x48: {  	v1 =	vshrl.u32 v1, $0x13;
	[tilespmem:s28+$0x0] =	vst v2  }
0x49: {  	s25 =	simm.s32 $0x0;
	[tilespmem:s28+$0x2000] =	vst v1  }
.LBB2_14:
0x4a: {  	p1 =	sne.s32 s24, $0xFFC0;
	[tilespmem:s25+$0x8000] =	vst v0;
	s25 =	smov.u32 s24;
	s24 =	sadd.s32 $0x40, s24  }
.Ltmp4:
0x4b: {  	(pc) =	sbr.rel @p1 .LBB2_14-.Ltmp4, $2  }
0x4c: {  	_ =	sdelay $0x2  }
0x4d: {  	s25 =	sshra.s32 s25, $0x2  }
0x4e: {  	[tilespmem:s25+$0x8000] =	vst v0  }
0x4f: {  	[spmem:s6] =	stream.linear.scatter [tilespmem:s20], [sflag:$0x1], $0x4000, $0x38;
	[tilespmem:$0x1C0C0] =	vst v63  }
0x50: {  	_ =	swait.ge [sflag:s18], $0x4000  }
0x51: {  	[sflag:s18] =	ssyncset.done $0x0  }
0x52: {  	[sflag:s18] =	ssyncadd.s32 $0xFFFFC000  }
0x53: {  	[spmem:s9] =	stream.linear.scatter [tilespmem:s20], [sflag:$0x1], $0x4000, $0x38;
	[tilespmem:$0x1C0C0] =	vst v63  }
0x54: {  	_ =	swait.ge [sflag:s18], $0x4000  }
0x55: {  	[sflag:s18] =	ssyncset.done $0x0  }
0x56: {  	[sflag:s18] =	ssyncadd.s32 $0xFFFFC000  }
0x57: {  	[spmem:s10] =	stream.linear.scatter [tilespmem:s20], [sflag:$0x1], $0x4000, $0x38;
	[tilespmem:$0x1C0C0] =	vst v63  }
0x58: {  	_ =	swait.ge [sflag:s18], $0x4000  }
0x59: {  	[sflag:s18] =	ssyncset.done $0x0  }
0x5a: {  	[sflag:s18] =	ssyncadd.s32 $0xFFFFC000  }
0x5b: {  	[spmem:s11] =	stream.linear.scatter [tilespmem:s20], [sflag:$0x1], $0x4000, $0x38;
	[tilespmem:$0x1C0C0] =	vst v63  }
0x5c: {  	_ =	swait.ge [sflag:s18], $0x4000  }
0x5d: {  	[sflag:s18] =	ssyncset.done $0x0  }
0x5e: {  	[sflag:s18] =	ssyncadd.s32 $0xFFFFC000  }
0x5f: {  	s24 =	simm.s32 $0x0;
	[bflag:$0x0] =	sbarrier.arrive $0xFFFF  }
.LBB2_16:
0x60: {  	s29 =	simm.s32 $0x0  }
0x61: {  	v2 =	vld [tilespmem:s29+$0x2030]  }
0x62: {  	v7 =	vld [tilespmem:s29+$0x2000]  }
0x63: {  	v9 =	vld [tilespmem:s29+$0x2010]  }
0x64: {  	v6 =	vld [tilespmem:s29+$0x2020]  }
0x65: {  	v1 =	vmov s24;
	s25 =	sand.u32 $0x1, s24;
	v5 =	vld [tilespmem:s29+$0x0]  }
0x66: {  	v3 =	vld [tilespmem:s29+$0x10];
	s26 =	smul.u32 $0x80200, s25;
	vm0 =	veq.s32 v2, v1  }
0x67: {  	v4 =	vld [tilespmem:s29+$0x20];
	v2 =	vsel vm0, $0x3F800000, v0;
	vm0 =	veq.s32 v7, v1  }
0x68: {  	s28 =	simm.s32 $0x40;
	s30 =	simm.s32 $0x200;
	v7 =	vld [tilespmem:s29+$0x30];
	[tilespmem:s29+$0x6030] =	vst v2;
	v2 =	vmov s26;
	v8 =	vsel vm0, $0x3F800000, v0;
	vm0 =	veq.s32 v9, v1  }
.LBB2_17:
0x69: {  	p1 =	sne.s32 s30, $0x7F00;
	v9 =	vld [tilespmem:s28+$0x2030];
	[tilespmem:s29+$0x6000] =	vst v8;
	v8 =	vsel vm0, $0x3F800000, v0;
	vm0 =	veq.s32 v6, v1  }
0x6a: {  	v10 =	vld [tilespmem:s28+$0x2000];
	v5 =	vadd.s32 v2, v5;
	[tilespmem:s29+$0x6010] =	vst v8;
	v6 =	vsel vm0, $0x3F800000, v0  }
0x6b: {  	v11 =	vld [tilespmem:s28+$0x2010];
	v3 =	vadd.s32 v2, v3;
	[tilespmem:s29+$0x6020] =	vst v6  }
.Ltmp5:
0x6c: {  	v6 =	vld [tilespmem:s28+$0x2020];
	[tilespmem:s29+$0x4000] =	vst v5;
	v4 =	vadd.s32 v2, v4;
	(pc) =	sbr.rel @p1 .LBB2_17-.Ltmp5, $4  }
0x6d: {  	v5 =	vld [tilespmem:s28+$0x0];
	[tilespmem:s29+$0x4010] =	vst v3;
	v7 =	vadd.s32 v2, v7  }
0x6e: {  	v3 =	vld [tilespmem:s28+$0x10];
	vm0 =	veq.s32 v9, v1;
	[tilespmem:s29+$0x4020] =	vst v4  }
0x6f: {  	vm1 =	veq.s32 v10, v1;
	v4 =	vld [tilespmem:s28+$0x20];
	v9 =	vsel vm0, $0x3F800000, v0;
	[tilespmem:s29+$0x4030] =	vst v7;
	s29 =	smov.u32 s28  }
0x70: {  	s28 =	sshra.s32 s30, $0x2;
	s30 =	sadd.s32 $0x100, s30;
	v8 =	vsel vm1, $0x3F800000, v0;
	vm0 =	veq.s32 v11, v1;
	[tilespmem:s29+$0x6030] =	vst v9;
	v7 =	vld [tilespmem:s29+$0x30]  }
0x71: {  	v9 =	vld [tilespmem:s28+$0x2030];
	[tilespmem:s29+$0x6000] =	vst v8;
	v60 =	vsel vm0, $0x3F800000, v0;
	vm11 =	veq.s32 v6, v1  }
0x72: {  	v10 =	vld [tilespmem:s28+$0x2000];
	[tilespmem:s29+$0x6010] =	vst v60;
	v6 =	vsel vm11, $0x3F800000, v0  }
0x73: {  	v5 =	vadd.s32 v2, v5;
	v8 =	vld [tilespmem:s28+$0x2010];
	[tilespmem:s29+$0x6020] =	vst v6  }
0x74: {  	v3 =	vadd.s32 v2, v3;
	v6 =	vld [tilespmem:s28+$0x2020];
	[tilespmem:s29+$0x4000] =	vst v5  }
0x75: {  	v5 =	vld [tilespmem:s28+$0x0];
	[tilespmem:s29+$0x4010] =	vst v3;
	v3 =	vadd.s32 v2, v4  }
0x76: {  	v61 =	vld [tilespmem:s28+$0x10];
	[tilespmem:s29+$0x4020] =	vst v3;
	v3 =	vadd.s32 v2, v7;
	vm12 =	veq.s32 v9, v1  }
0x77: {  	v62 =	vld [tilespmem:s28+$0x20];
	v9 =	vsel vm12, $0x3F800000, v0;
	[tilespmem:s29+$0x4030] =	vst v3;
	vm13 =	veq.s32 v10, v1  }
0x78: {  	[tilespmem:s28+$0x6030] =	vst v9;
	v3 =	vsel vm13, $0x3F800000, v0;
	vm14 =	veq.s32 v8, v1  }
0x79: {  	v63 =	vld [tilespmem:s28+$0x30];
	[tilespmem:s28+$0x6000] =	vst v3;
	v3 =	vsel vm14, $0x3F800000, v0;
	vm15 =	veq.s32 v6, v1  }
0x7a: {  	[tilespmem:s28+$0x6010] =	vst v3;
	v1 =	vsel vm15, $0x3F800000, v0  }
0x7b: {  	v3 =	vadd.s32 v2, v5;
	[tilespmem:s28+$0x6020] =	vst v1  }
0x7c: {  	v1 =	vadd.s32 v2, v61;
	[tilespmem:s28+$0x4000] =	vst v3  }
0x7d: {  	v3 =	vadd.s32 v2, v62;
	[tilespmem:s28+$0x4010] =	vst v1  }
0x7e: {  	v1 =	vadd.s32 v2, v63;
	[tilespmem:s28+$0x4020] =	vst v3  }
0x7f: {  	[tilespmem:s28+$0x4030] =	vst v1  }
0x80: {  	[spmem:s2] =	stream.indirect.scatter.add.f32 [tilespmem:s22], [sflag:$0x1], $0x1, s21, s19, $0xb8;
	[tilespmem:$0x1C0C0] =	vst v63  }
0x81: {  	s26 =	sadd.s32 s26, s2;
	s31 =	sshrl.u32 s13, $0x2;
	_ =	swait.ge [sflag:s18], $0x2000  }
0x82: {  	p1 =	seq.s32 s24, $0x0;
	s26 =	sadd.s32 s31, s26;
	[sflag:s18] =	ssyncset.done $0x0  }
0x83: {  	s25 =	sxor.u32 @!p1 $0x1, s25;
	s26 =	sadd.s32 $0x80010, s26;
	[sflag:s18] =	ssyncadd.s32 $0xFFFFE000  }
0x84: {  	[spmem:s26] =	stream.linear.scatter [tilespmem:s23], [sflag:$0x1], $0x10, $0x38;
	[tilespmem:$0x1C0C0] =	vst v63  }
0x85: {  	s25 =	smul.u32 @!p1 $0x200800, s25;
	_ =	swait.ge [sflag:s18], $0x10  }
0x86: {  	[sflag:s18] =	ssyncset.done $0x0  }
0x87: {  	s25 =	sshrl.u32 @!p1 s25, $0x2;
	[sflag:s18] =	ssyncadd.s32 $0xFFFFFFF0  }
0x88: {  	[tilespmem:s23], [sflag:$0x1] =	stream.linear.gather [spmem:s26], $0x10, $0x38;
	[tilespmem:$0x1C0C0] =	vst v63  }
0x89: {  	s25 =	sadd.s32 @!p1 s25, s6;
	s26 =	sshll.u32 @!p1 s24, $0x13;
	_ =	swait.ge [sflag:s18], $0x10  }
0x8a: {  	s29 =	sshrl.u32 @!p1 s25, $0x3;
	s26 =	sadd.s32 @!p1 s12, s26;
	[sflag:s18] =	ssyncset.done $0x0  }
0x8b: {  	s28 =	sshll.u32 @!p1 s1, $0x6;
	s26 =	sshrl.u32 @!p1 s26, $0x3;
	[sflag:s18] =	ssyncadd.s32 $0xFFFFFFF0  }
0x8c: {  	s28 =	sor.u32 @!p1 $0x1C01, s28;
	s26 =	sadd.s32 @!p1 s5, s26;
	[bflag:$0x0] =	sbarrier.arrive $0xFFFF  }
0x8d: {  	[hbm:s26], [sflag:s28] =	dma.local @!p1 [spmem:s29], $0x1000  }
0x8e: {  	s26 =	simm.s32 @!p1 $0x1  }
0x8f: {  	_ =	swait.ge @!p1 [sflag:s26], $0x1000  }
0x90: {  	[sflag:s26] =	ssyncset.done @!p1 $0x0  }
0x91: {  	s28 =	simm.s32 @!p1 $0x8000;
	[sflag:s26] =	ssyncadd.s32 @!p1 $0xFFFFF000  }
0x92: {  	[spmem:s25] =	stream.linear.scatter @!p1 [tilespmem:s28], [sflag:$0x1], $0x4000, $0x38;
	[tilespmem:$0x1C0C0] =	vst v63  }
0x93: {  	_ =	swait.ge @!p1 [sflag:s26], $0x4000  }
0x94: {  	[sflag:s26] =	ssyncset.done @!p1 $0x0  }
0x95: {  	s25 =	sadd.s32 @!p1 $0x4000, s25;
	[sflag:s26] =	ssyncadd.s32 @!p1 $0xFFFFC000  }
0x96: {  	[spmem:s25] =	stream.linear.scatter @!p1 [tilespmem:s28], [sflag:$0x1], $0x4000, $0x38;
	[tilespmem:$0x1C0C0] =	vst v63  }
0x97: {  	_ =	swait.ge @!p1 [sflag:s26], $0x4000  }
0x98: {  	s24 =	sadd.s32 $0x1, s24;
	[sflag:s26] =	ssyncset.done @!p1 $0x0  }
0x99: {  	[sflag:s26] =	ssyncadd.s32 @!p1 $0xFFFFC000;
	p1 =	sne.s32 s24, $0x20  }
.Ltmp6:
0x9a: {  	_ = 	snop;
	(pc) =	sbr.rel @p1 .LBB2_16-.Ltmp6, $2  }
0x9b: {  	_ =	sdelay $0x1  }
0x9c: {  	[bflag:$0x0] =	sbarrier.arrive $0xFFFF;
	_ =	sdelay $0x1  }
.Ltmp7:
0x9d: {  	(pc) =	sbr.rel .LBB2_20-.Ltmp7, $2  }
0x9e: {  	_ =	sdelay $0x2  }
0x9f: {  	s24 =	smov.u32 s5  }
.LBB2_2:
0xa0: {  	[tilespmem:s24], [sflag:$0x1] =	stream.linear.gather [hbm4b:s7+s24], $0x2000, $0x38;
	[tilespmem:$0x1C0C0] =	vst v63  }
0xa1: {  	_ =	swait.ge [sflag:s18], $0x2000  }
0xa2: {  	[sflag:s18] =	ssyncset.done $0x0  }
0xa3: {  	[sflag:s18] =	ssyncadd.s32 $0xFFFFE000  }
0xa4: {  	[tilespmem:s19], [sflag:$0x1] =	stream.linear.gather [hbm4b:s8+s24], $0x2000, $0x38;
	[tilespmem:$0x1C0C0] =	vst v63  }
0xa5: {  	_ =	swait.ge [sflag:s18], $0x2000  }
0xa6: {  	[sflag:s18] =	ssyncset.done $0x0  }
0xa7: {  	s25 =	simm.s32 $0x0;
	[sflag:s18] =	ssyncadd.s32 $0xFFFFE000  }
0xa8: {  	v1 =	vld [tilespmem:s25+$0x0]  }
0xa9: {  	v2 =	vld [tilespmem:s25+$0x2000];
	_ =	sdelay $0x3  }
0xaa: {  	v1 =	vshll.u32 v1, $0xC  }
0xab: {  	v1 =	vadd.s32 v2, v1  }
0xac: {  	v2 =	vand.u32 $0x7FFFF, v1  }
0xad: {  	s28 =	simm.s32 $0x10;
	s26 =	simm.s32 $0x80;
	s24 =	simm.s32 $0x40;
	v1 =	vshrl.u32 v1, $0x13;
	[tilespmem:s25+$0x0] =	vst v2  }
.LBB2_3:
0xae: {  	p1 =	sne.s32 s26, $0x7FC0;
	v2 =	vld [tilespmem:s28+$0x0];
	[tilespmem:s25+$0x2000] =	vst v1;
	s25 =	smov.u32 s28  }
0xaf: {  	v1 =	vld [tilespmem:s25+$0x2000];
	_ =	sdelay $0x2  }
.Ltmp8:
0xb0: {  	(pc) =	sbr.rel @p1 .LBB2_3-.Ltmp8, $4  }
0xb1: {  	v2 =	vshll.u32 v2, $0xC  }
0xb2: {  	v1 =	vadd.s32 v1, v2  }
0xb3: {  	v2 =	vand.u32 $0x7FFFF, v1;
	v1 =	vshrl.u32 v1, $0x13  }
0xb4: {  	s28 =	sshra.s32 s26, $0x2;
	s26 =	sadd.s32 $0x40, s26;
	[tilespmem:s25+$0x0] =	vst v2  }
0xb5: {  	v2 =	vld [tilespmem:s28+$0x0];
	[tilespmem:s25+$0x2000] =	vst v1  }
0xb6: {  	v1 =	vld [tilespmem:s28+$0x2000];
	_ =	sdelay $0x3  }
0xb7: {  	v2 =	vshll.u32 v2, $0xC  }
0xb8: {  	v1 =	vadd.s32 v1, v2  }
0xb9: {  	v2 =	vand.u32 $0x7FFFF, v1  }
0xba: {  	v1 =	vshrl.u32 v1, $0x13;
	[tilespmem:s28+$0x0] =	vst v2  }
0xbb: {  	s25 =	simm.s32 $0x0;
	[tilespmem:s28+$0x2000] =	vst v1  }
.LBB2_5:
0xbc: {  	p1 =	sne.s32 s24, $0xFFC0;
	[tilespmem:s25+$0x8000] =	vst v0;
	s25 =	smov.u32 s24;
	s24 =	sadd.s32 $0x40, s24  }
.Ltmp9:
0xbd: {  	(pc) =	sbr.rel @p1 .LBB2_5-.Ltmp9, $2  }
0xbe: {  	_ =	sdelay $0x2  }
0xbf: {  	s25 =	sshra.s32 s25, $0x2  }
0xc0: {  	[tilespmem:s25+$0x8000] =	vst v0  }
0xc1: {  	[spmem:s6] =	stream.linear.scatter [tilespmem:s20], [sflag:$0x1], $0x4000, $0x38;
	[tilespmem:$0x1C0C0] =	vst v63  }
0xc2: {  	_ =	swait.ge [sflag:s18], $0x4000  }
0xc3: {  	[sflag:s18] =	ssyncset.done $0x0  }
0xc4: {  	[sflag:s18] =	ssyncadd.s32 $0xFFFFC000  }
0xc5: {  	[spmem:s9] =	stream.linear.scatter [tilespmem:s20], [sflag:$0x1], $0x4000, $0x38;
	[tilespmem:$0x1C0C0] =	vst v63  }
0xc6: {  	_ =	swait.ge [sflag:s18], $0x4000  }
0xc7: {  	[sflag:s18] =	ssyncset.done $0x0  }
0xc8: {  	[sflag:s18] =	ssyncadd.s32 $0xFFFFC000  }
0xc9: {  	[spmem:s10] =	stream.linear.scatter [tilespmem:s20], [sflag:$0x1], $0x4000, $0x38;
	[tilespmem:$0x1C0C0] =	vst v63  }
0xca: {  	_ =	swait.ge [sflag:s18], $0x4000  }
0xcb: {  	[sflag:s18] =	ssyncset.done $0x0  }
0xcc: {  	[sflag:s18] =	ssyncadd.s32 $0xFFFFC000  }
0xcd: {  	[spmem:s11] =	stream.linear.scatter [tilespmem:s20], [sflag:$0x1], $0x4000, $0x38;
	[tilespmem:$0x1C0C0] =	vst v63  }
0xce: {  	_ =	swait.ge [sflag:s18], $0x4000  }
0xcf: {  	[sflag:s18] =	ssyncset.done $0x0  }
0xd0: {  	[sflag:s18] =	ssyncadd.s32 $0xFFFFC000  }
0xd1: {  	s24 =	simm.s32 $0x0;
	[bflag:$0x0] =	sbarrier.arrive $0xFFFF  }
.LBB2_7:
0xd2: {  	s29 =	simm.s32 $0x0  }
0xd3: {  	v2 =	vld [tilespmem:s29+$0x2030]  }
0xd4: {  	v7 =	vld [tilespmem:s29+$0x2000]  }
0xd5: {  	v9 =	vld [tilespmem:s29+$0x2010]  }
0xd6: {  	v6 =	vld [tilespmem:s29+$0x2020]  }
0xd7: {  	v1 =	vmov s24;
	s25 =	sand.u32 $0x1, s24;
	v5 =	vld [tilespmem:s29+$0x0]  }
0xd8: {  	v3 =	vld [tilespmem:s29+$0x10];
	s26 =	smul.u32 $0x80200, s25;
	vm0 =	veq.s32 v2, v1  }
0xd9: {  	v4 =	vld [tilespmem:s29+$0x20];
	v2 =	vsel vm0, $0x3F800000, v0;
	vm0 =	veq.s32 v7, v1  }
0xda: {  	s28 =	simm.s32 $0x40;
	s30 =	simm.s32 $0x200;
	v7 =	vld [tilespmem:s29+$0x30];
	[tilespmem:s29+$0x6030] =	vst v2;
	v2 =	vmov s26;
	v8 =	vsel vm0, $0x3F800000, v0;
	vm0 =	veq.s32 v9, v1  }
.LBB2_8:
0xdb: {  	p1 =	sne.s32 s30, $0x7F00;
	v9 =	vld [tilespmem:s28+$0x2030];
	[tilespmem:s29+$0x6000] =	vst v8;
	v8 =	vsel vm0, $0x3F800000, v0;
	vm0 =	veq.s32 v6, v1  }
0xdc: {  	v10 =	vld [tilespmem:s28+$0x2000];
	v5 =	vadd.s32 v2, v5;
	[tilespmem:s29+$0x6010] =	vst v8;
	v6 =	vsel vm0, $0x3F800000, v0  }
0xdd: {  	v11 =	vld [tilespmem:s28+$0x2010];
	v3 =	vadd.s32 v2, v3;
	[tilespmem:s29+$0x6020] =	vst v6  }
.Ltmp10:
0xde: {  	v6 =	vld [tilespmem:s28+$0x2020];
	[tilespmem:s29+$0x4000] =	vst v5;
	v4 =	vadd.s32 v2, v4;
	(pc) =	sbr.rel @p1 .LBB2_8-.Ltmp10, $4  }
0xdf: {  	v5 =	vld [tilespmem:s28+$0x0];
	[tilespmem:s29+$0x4010] =	vst v3;
	v7 =	vadd.s32 v2, v7  }
0xe0: {  	v3 =	vld [tilespmem:s28+$0x10];
	vm0 =	veq.s32 v9, v1;
	[tilespmem:s29+$0x4020] =	vst v4  }
0xe1: {  	vm1 =	veq.s32 v10, v1;
	v4 =	vld [tilespmem:s28+$0x20];
	v9 =	vsel vm0, $0x3F800000, v0;
	[tilespmem:s29+$0x4030] =	vst v7;
	s29 =	smov.u32 s28  }
0xe2: {  	s28 =	sshra.s32 s30, $0x2;
	s30 =	sadd.s32 $0x100, s30;
	v8 =	vsel vm1, $0x3F800000, v0;
	vm0 =	veq.s32 v11, v1;
	[tilespmem:s29+$0x6030] =	vst v9;
	v7 =	vld [tilespmem:s29+$0x30]  }
0xe3: {  	v9 =	vld [tilespmem:s28+$0x2030];
	[tilespmem:s29+$0x6000] =	vst v8;
	v60 =	vsel vm0, $0x3F800000, v0;
	vm11 =	veq.s32 v6, v1  }
0xe4: {  	v10 =	vld [tilespmem:s28+$0x2000];
	[tilespmem:s29+$0x6010] =	vst v60;
	v6 =	vsel vm11, $0x3F800000, v0  }
0xe5: {  	v5 =	vadd.s32 v2, v5;
	v8 =	vld [tilespmem:s28+$0x2010];
	[tilespmem:s29+$0x6020] =	vst v6  }
0xe6: {  	v3 =	vadd.s32 v2, v3;
	v6 =	vld [tilespmem:s28+$0x2020];
	[tilespmem:s29+$0x4000] =	vst v5  }
0xe7: {  	v5 =	vld [tilespmem:s28+$0x0];
	[tilespmem:s29+$0x4010] =	vst v3;
	v3 =	vadd.s32 v2, v4  }
0xe8: {  	v61 =	vld [tilespmem:s28+$0x10];
	[tilespmem:s29+$0x4020] =	vst v3;
	v3 =	vadd.s32 v2, v7;
	vm12 =	veq.s32 v9, v1  }
0xe9: {  	v62 =	vld [tilespmem:s28+$0x20];
	v9 =	vsel vm12, $0x3F800000, v0;
	[tilespmem:s29+$0x4030] =	vst v3;
	vm13 =	veq.s32 v10, v1  }
0xea: {  	[tilespmem:s28+$0x6030] =	vst v9;
	v3 =	vsel vm13, $0x3F800000, v0;
	vm14 =	veq.s32 v8, v1  }
0xeb: {  	v63 =	vld [tilespmem:s28+$0x30];
	[tilespmem:s28+$0x6000] =	vst v3;
	v3 =	vsel vm14, $0x3F800000, v0;
	vm15 =	veq.s32 v6, v1  }
0xec: {  	[tilespmem:s28+$0x6010] =	vst v3;
	v1 =	vsel vm15, $0x3F800000, v0  }
0xed: {  	v3 =	vadd.s32 v2, v5;
	[tilespmem:s28+$0x6020] =	vst v1  }
0xee: {  	v1 =	vadd.s32 v2, v61;
	[tilespmem:s28+$0x4000] =	vst v3  }
0xef: {  	v3 =	vadd.s32 v2, v62;
	[tilespmem:s28+$0x4010] =	vst v1  }
0xf0: {  	v1 =	vadd.s32 v2, v63;
	[tilespmem:s28+$0x4020] =	vst v3  }
0xf1: {  	[tilespmem:s28+$0x4030] =	vst v1  }
0xf2: {  	[spmem:s2] =	stream.indirect.scatter.add.f32 [tilespmem:s22], [sflag:$0x1], $0x1, s21, s19, $0xb8;
	[tilespmem:$0x1C0C0] =	vst v63  }
0xf3: {  	s26 =	sadd.s32 s26, s2;
	s31 =	sshrl.u32 s13, $0x2;
	_ =	swait.ge [sflag:s18], $0x2000  }
0xf4: {  	p1 =	seq.s32 s24, $0x0;
	s26 =	sadd.s32 s31, s26;
	[sflag:s18] =	ssyncset.done $0x0  }
0xf5: {  	s25 =	sxor.u32 @!p1 $0x1, s25;
	s26 =	sadd.s32 $0x80010, s26;
	[sflag:s18] =	ssyncadd.s32 $0xFFFFE000  }
0xf6: {  	[spmem:s26] =	stream.linear.scatter [tilespmem:s23], [sflag:$0x1], $0x10, $0x38;
	[tilespmem:$0x1C0C0] =	vst v63  }
0xf7: {  	s25 =	smul.u32 @!p1 $0x200800, s25;
	_ =	swait.ge [sflag:s18], $0x10  }
0xf8: {  	[sflag:s18] =	ssyncset.done $0x0  }
0xf9: {  	s25 =	sshrl.u32 @!p1 s25, $0x2;
	[sflag:s18] =	ssyncadd.s32 $0xFFFFFFF0  }
0xfa: {  	[tilespmem:s23], [sflag:$0x1] =	stream.linear.gather [spmem:s26], $0x10, $0x38;
	[tilespmem:$0x1C0C0] =	vst v63  }
0xfb: {  	s25 =	sadd.s32 @!p1 s25, s6;
	s26 =	sshll.u32 @!p1 s24, $0x13;
	_ =	swait.ge [sflag:s18], $0x10  }
0xfc: {  	s29 =	sshrl.u32 @!p1 s25, $0x3;
	s26 =	sadd.s32 @!p1 s12, s26;
	[sflag:s18] =	ssyncset.done $0x0  }
0xfd: {  	s28 =	sshll.u32 @!p1 s1, $0x6;
	s26 =	sshrl.u32 @!p1 s26, $0x3;
	[sflag:s18] =	ssyncadd.s32 $0xFFFFFFF0  }
0xfe: {  	s28 =	sor.u32 @!p1 $0x1C01, s28;
	s26 =	sadd.s32 @!p1 s4, s26;
	[bflag:$0x0] =	sbarrier.arrive $0xFFFF  }
0xff: {  	[hbm:s26], [sflag:s28] =	dma.local @!p1 [spmem:s29], $0x1000  }
0x100: {  	s26 =	simm.s32 @!p1 $0x1  }
0x101: {  	_ =	swait.ge @!p1 [sflag:s26], $0x1000  }
0x102: {  	[sflag:s26] =	ssyncset.done @!p1 $0x0  }
0x103: {  	s28 =	simm.s32 @!p1 $0x8000;
	[sflag:s26] =	ssyncadd.s32 @!p1 $0xFFFFF000  }
0x104: {  	[spmem:s25] =	stream.linear.scatter @!p1 [tilespmem:s28], [sflag:$0x1], $0x4000, $0x38;
	[tilespmem:$0x1C0C0] =	vst v63  }
0x105: {  	_ =	swait.ge @!p1 [sflag:s26], $0x4000  }
0x106: {  	[sflag:s26] =	ssyncset.done @!p1 $0x0  }
0x107: {  	s25 =	sadd.s32 @!p1 $0x4000, s25;
	[sflag:s26] =	ssyncadd.s32 @!p1 $0xFFFFC000  }
0x108: {  	[spmem:s25] =	stream.linear.scatter @!p1 [tilespmem:s28], [sflag:$0x1], $0x4000, $0x38;
	[tilespmem:$0x1C0C0] =	vst v63  }
0x109: {  	_ =	swait.ge @!p1 [sflag:s26], $0x4000  }
0x10a: {  	s24 =	sadd.s32 $0x1, s24;
	[sflag:s26] =	ssyncset.done @!p1 $0x0  }
0x10b: {  	[sflag:s26] =	ssyncadd.s32 @!p1 $0xFFFFC000;
	p1 =	seq.s32 s24, $0x20  }
.Ltmp11:
0x10c: {  	_ = 	snop;
	(pc) =	sbr.rel @!p1 .LBB2_7-.Ltmp11, $2  }
0x10d: {  	_ =	sdelay $0x1  }
0x10e: {  	[bflag:$0x0] =	sbarrier.arrive $0xFFFF;
	_ =	sdelay $0x1  }
.Ltmp12:
0x10f: {  	(pc) =	sbr.rel .LBB2_20-.Ltmp12, $2  }
0x110: {  	_ =	sdelay $0x2  }
0x111: {  	s24 =	smov.u32 s4  }
.LBB2_21:
0x112: {  	_ =	sfence.sel $0x180000  }
0x113: {  	[bflag:$0x0] =	sbarrier.arrive $0xFFFF  }
0x114: {  	p0 =	sne.s32 s1, $0x0;
	_ =	strace $0x90000047  }
0x115: {  	s0 =	sadd.s32 @!p0 $0x100000, s0;
	[bflag:$0x2] =	sbarrier.arrive $0xFFFF  }
0x116: {  	[sflag:s0] =	ssyncadd.tile.s32 @!p0 $0x1;
	_ =	shalt  }
.Lfunc_end2:
_tile_overlayer_lowered:
.L_overlay_start_2:
0x117: {  	(tag) =	ssettag $0x2  }
0x118: {  	s0 =	rddreg [dreg:$0x0];
	s2 =	stileid.u32  }
0x119: {  	s1 =	rddreg [dreg:$0x1];
	p0 =	sne.s32 s2, $0x0  }
0x11a: {  	s3 =	rddreg [dreg:$0x2];
	[bflag:$0x3] =	sbarrier.arrive $0xFFFF;
	s2 =	simm.s32 @!p0 $0x1C01  }
0x11b: {  	[timem:s3], [sflag:s2] =	dma.local @!p0 [hbm:s0], s1  }
0x11c: {  	s0 =	simm.s32 @!p0 $0x1  }
0x11d: {  	_ =	swait.ge @!p0 [sflag:s0], s1  }
0x11e: {  	s1 =	ssub.s32 @!p0 $0x0, s1;
	[sflag:s0] =	ssyncset.done @!p0 $0x0  }
0x11f: {  	[sflag:s0] =	ssyncadd.s32 @!p0 s1  }
0x120: {  	[bflag:$0x3] =	sbarrier.arrive $0xFFFF  }
0x121: {  	_ =	shalt  }

</sc_bundles>
